<compile_context>
chip_gen: v7x
topology: tpu7x:2x2x1
jax: 0.10.2.dev20260603
libtpu: 0.0.44.dev20260713+nightly
codegen_flags: <defaults>
</compile_context>

<pallas_src>
import functools

import jax
import jax.numpy as jnp
from jax import lax
from jax.experimental import pallas as pl
from jax.experimental.pallas import tpu as pltpu
from jax.experimental.pallas import tpu_sc as plsc

N = 10000
E = 320000
D = 128
F = 2000
FE = 10000

NC, NS = 2, 16
NW = NC * NS
K = 128

NP = 10240
RPT = NP // NS
EC = 79
EPAD = NW * EC * K
ATRASH = 10200

FP = 2048
FTRASH = 2047
AC = NP // (NS * K)
FC = 3
FEPAD = NW * FC * K

_MESH = plsc.VectorSubcoreMesh(core_axis_name="c", subcore_axis_name="s")
_f32 = jnp.float32
_i32 = jnp.int32


@functools.partial(
    pl.kernel,
    out_type=jax.ShapeDtypeStruct((NC * NP,), _f32),
    mesh=_MESH,
    scratch_types=[
        pltpu.VMEM_SHARED((NP,), _f32),
        pltpu.VMEM((EC, K), _i32),
        pltpu.VMEM((K,), _f32),
    ],
)
def _deg_sc(src_hbm, ones_hbm, zvec_hbm, hist_out, hist_sh, idx_v, ones_v):
    c = lax.axis_index("c")
    s = lax.axis_index("s")
    wid = s * NC + c
    pltpu.sync_copy(zvec_hbm, hist_sh.at[pl.ds(s * RPT, RPT)])
    pltpu.sync_copy(ones_hbm, ones_v)
    pltpu.sync_copy(src_hbm.at[wid], idx_v)
    plsc.subcore_barrier()

    def body(j, carry):
        pltpu.sync_copy(ones_v, hist_sh.at[idx_v.at[j]], add=True)
        return carry

    lax.fori_loop(0, EC, body, 0)
    plsc.subcore_barrier()
    pltpu.sync_copy(hist_sh.at[pl.ds(s * RPT, RPT)],
                    hist_out.at[pl.ds(c * NP + s * RPT, RPT)])


@functools.partial(
    pl.kernel,
    out_type=jax.ShapeDtypeStruct((NC * NP, D), _f32),
    mesh=_MESH,
    scratch_types=[
        pltpu.VMEM_SHARED((NP, D), _f32),
        pltpu.VMEM((EC, K), _i32),
        pltpu.VMEM((EC, K), _i32),
        pltpu.VMEM((K, D), _f32),
    ],
)
def _edge_sc(y_hbm, src_hbm, tgt_hbm, zrows_hbm, z_out, z_sh, sv, tv, buf):
    c = lax.axis_index("c")
    s = lax.axis_index("s")
    wid = s * NC + c
    pltpu.sync_copy(zrows_hbm, z_sh.at[pl.ds(s * RPT, RPT)])
    pltpu.sync_copy(src_hbm.at[wid], sv)
    pltpu.sync_copy(tgt_hbm.at[wid], tv)
    plsc.subcore_barrier()

    def body(j, carry):
        pltpu.sync_copy(y_hbm.at[sv.at[j]], buf)
        pltpu.sync_copy(buf, z_sh.at[tv.at[j]], add=True)
        return carry

    lax.fori_loop(0, EC, body, 0)
    plsc.subcore_barrier()
    pltpu.sync_copy(z_sh.at[pl.ds(s * RPT, RPT)],
                    z_out.at[pl.ds(c * NP + s * RPT, RPT)])


@functools.partial(
    pl.kernel,
    out_type=jax.ShapeDtypeStruct((NC * FP, D), _f32),
    mesh=_MESH,
    scratch_types=[
        pltpu.VMEM_SHARED((FP, D), _f32),
        pltpu.VMEM_SHARED((FP, D), _f32),
        pltpu.VMEM((AC, K), _i32),
        pltpu.VMEM((FC, K), _i32),
        pltpu.VMEM((FC, K), _i32),
        pltpu.VMEM((K, D), _f32),
        pltpu.VMEM((K, D), _f32),
        pltpu.SemaphoreType.DMA,
        pltpu.SemaphoreType.DMA,
        pltpu.SemaphoreType.DMA,
        pltpu.SemaphoreType.DMA,
    ],
)
def _frag_sc(xn_hbm, a2f_hbm, fs_hbm, ft_hbm, zrows_hbm,
             ffs_out, xf_sh, ffs_sh, av, fv, tv, buf0, buf1, g0, g1, s0, s1):
    c = lax.axis_index("c")
    s = lax.axis_index("s")
    wid = s * NC + c
    fpt = FP // NS
    pltpu.sync_copy(zrows_hbm.at[pl.ds(0, fpt)], xf_sh.at[pl.ds(s * fpt, fpt)])
    pltpu.sync_copy(zrows_hbm.at[pl.ds(0, fpt)], ffs_sh.at[pl.ds(s * fpt, fpt)])
    pltpu.sync_copy(a2f_hbm.at[s], av)
    pltpu.sync_copy(fs_hbm.at[wid], fv)
    pltpu.sync_copy(ft_hbm.at[wid], tv)
    plsc.subcore_barrier()
    bufs, gsems, ssems = (buf0, buf1), (g0, g1), (s0, s1)
    base = pl.multiple_of(s * (AC * K), K)
    pltpu.async_copy(xn_hbm.at[pl.ds(base, K)], buf0, g0)
    pltpu.async_copy(xn_hbm.at[pl.ds(base + K, K)], buf1, g1)
    for j in range(AC):
        b, g, sc = bufs[j % 2], gsems[j % 2], ssems[j % 2]
        pltpu.make_async_copy(xn_hbm.at[pl.ds(base, K)], b, g).wait()
        pltpu.async_copy(b, xf_sh.at[av.at[j]], sc, add=True)
        pltpu.make_async_copy(b, xf_sh.at[av.at[j]], sc).wait()
        if j + 2 < AC:
            pltpu.async_copy(xn_hbm.at[pl.ds(base + (j + 2) * K, K)], b, g)
    plsc.subcore_barrier()
    pltpu.async_copy(xf_sh.at[fv.at[0]], buf0, g0)
    pltpu.async_copy(xf_sh.at[fv.at[1]], buf1, g1)
    for j in range(FC):
        b, g, sc = bufs[j % 2], gsems[j % 2], ssems[j % 2]
        pltpu.make_async_copy(xf_sh.at[fv.at[j]], b, g).wait()
        pltpu.async_copy(b, ffs_sh.at[tv.at[j]], sc, add=True)
        pltpu.make_async_copy(b, ffs_sh.at[tv.at[j]], sc).wait()
        if j + 2 < FC:
            pltpu.async_copy(xf_sh.at[fv.at[j + 2]], b, g)
    plsc.subcore_barrier()
    pltpu.sync_copy(ffs_sh.at[pl.ds(s * fpt, fpt)],
                    ffs_out.at[pl.ds(c * FP + s * fpt, fpt)])


def _bk(x_ref, h0_ref, h1_ref, w_ref, b_ref, y_ref):
    dis = lax.rsqrt(h0_ref[...] + h1_ref[...] + 1.0).reshape(RPT, 1)
    xw = lax.dot_general(x_ref[...], w_ref[...], (((1,), (1,)), ((), ())),
                         preferred_element_type=_f32)
    y_ref[...] = (xw + b_ref[...]) * dis


def _matmul_scale(x_pad, hist3d, w, b):
    return pl.pallas_call(
        _bk,
        grid=(NP // RPT,),
        in_specs=[
            pl.BlockSpec((RPT, D), lambda i: (i, 0)),
            pl.BlockSpec((1, 1, RPT), lambda i: (i, 0, 0)),
            pl.BlockSpec((1, 1, RPT), lambda i: (NP // RPT + i, 0, 0)),
            pl.BlockSpec((D, D), lambda i: (0, 0)),
            pl.BlockSpec((1, D), lambda i: (0, 0)),
        ],
        out_specs=pl.BlockSpec((RPT, D), lambda i: (i, 0)),
        out_shape=jax.ShapeDtypeStruct((NP, D), _f32),
    )(x_pad, hist3d, hist3d, w, b)


def _dk(y_ref, z0_ref, z1_ref, h0_ref, h1_ref, o_ref):
    dis = lax.rsqrt(h0_ref[...] + h1_ref[...] + 1.0).reshape(RPT, 1)
    o_ref[...] = (z0_ref[...] + z1_ref[...] + y_ref[...]) * dis


def _combine(y, z, hist3d):
    return pl.pallas_call(
        _dk,
        grid=(NP // RPT,),
        in_specs=[
            pl.BlockSpec((RPT, D), lambda i: (i, 0)),
            pl.BlockSpec((RPT, D), lambda i: (i, 0)),
            pl.BlockSpec((RPT, D), lambda i: (NP // RPT + i, 0)),
            pl.BlockSpec((1, 1, RPT), lambda i: (i, 0, 0)),
            pl.BlockSpec((1, 1, RPT), lambda i: (NP // RPT + i, 0, 0)),
        ],
        out_specs=pl.BlockSpec((RPT, D), lambda i: (i, 0)),
        out_shape=jax.ShapeDtypeStruct((NP, D), _f32),
    )(y, z, z, hist3d, hist3d)


def _fk(f0_ref, f1_ref, w1_ref, b1_ref, w2_ref, b2_ref, o_ref):
    x = f0_ref[...] + f1_ref[...]
    h = lax.dot_general(x, w1_ref[...], (((1,), (1,)), ((), ())),
                        preferred_element_type=_f32) + b1_ref[...]
    h = jnp.maximum(h, 0.0)
    o_ref[...] = lax.dot_general(h, w2_ref[...], (((1,), (1,)), ((), ())),
                                 preferred_element_type=_f32) + b2_ref[...]


def _mlp(ffs, w1, b1, w2, b2):
    blk = 512
    return pl.pallas_call(
        _fk,
        grid=(FP // blk,),
        in_specs=[
            pl.BlockSpec((blk, D), lambda i: (i, 0)),
            pl.BlockSpec((blk, D), lambda i: (FP // blk + i, 0)),
            pl.BlockSpec((2 * D, D), lambda i: (0, 0)),
            pl.BlockSpec((1, 2 * D), lambda i: (0, 0)),
            pl.BlockSpec((D, 2 * D), lambda i: (0, 0)),
            pl.BlockSpec((1, D), lambda i: (0, 0)),
        ],
        out_specs=pl.BlockSpec((blk, D), lambda i: (i, 0)),
        out_shape=jax.ShapeDtypeStruct((FP, D), _f32),
    )(ffs, ffs, w1, b1, w2, b2)


def kernel(x_atoms, edge_index, edge_attr, frag_index, x_frags,
           atom_to_frag_ids, W_atom, b_atom, W_edge, b_edge,
           W_frag1, b_frag1, W_frag2, b_frag2):
    src = edge_index[0].astype(_i32)
    tgt = edge_index[1].astype(_i32)
    pad = jnp.full((EPAD - E,), ATRASH, _i32)
    src_pad = jnp.concatenate([src, pad]).reshape(NW, EC, K)
    tgt_pad = jnp.concatenate([tgt, pad]).reshape(NW, EC, K)

    zvec = jnp.zeros((RPT,), _f32)
    zrows = jnp.zeros((RPT, D), _f32)
    ones128 = jnp.ones((K,), _f32)

    hist = _deg_sc(src_pad, ones128, zvec)
    hist3d = hist.reshape(2 * NP // RPT, 1, RPT)

    x_pad = jnp.pad(x_atoms, ((0, NP - N), (0, 0)))
    y = _matmul_scale(x_pad, hist3d, W_atom, b_atom.reshape(1, D))

    z = _edge_sc(y, src_pad, tgt_pad, zrows)
    xn_full = _combine(y, z, hist3d)

    a2f_pad = jnp.concatenate(
        [atom_to_frag_ids.astype(_i32),
         jnp.full((NS * AC * K - N,), FTRASH, _i32)]).reshape(NS, AC, K)
    fs_pad = jnp.concatenate(
        [frag_index[0].astype(_i32),
         jnp.zeros((FEPAD - FE,), _i32)]).reshape(NW, FC, K)
    ft_pad = jnp.concatenate(
        [frag_index[1].astype(_i32),
         jnp.full((FEPAD - FE,), FTRASH, _i32)]).reshape(NW, FC, K)

    ffs = _frag_sc(xn_full, a2f_pad, fs_pad, ft_pad, zrows)

    xfrags_full = _mlp(ffs, W_frag1, b_frag1.reshape(1, 2 * D),
                       W_frag2, b_frag2.reshape(1, D))
    return xn_full[:N], xfrags_full[:F]

# --- scband reference (transcript-rebuilt; emitter-appended) ---
"""Pipeline reference for scband-frag-net-layer-58033598103709 (READ-ONLY COPY).

The authoritative reference and input builder live on the scoring server;
editing this copy changes nothing except your own understanding.
"""

import jax, jax.numpy as jnp
import numpy as np

N, E, D = 10000, 320000, 128
F, FE, DE = 2000, 10000, 16

def setup_inputs(seed: int = 0):
    key = jax.random.key(seed)
    ks = jax.random.split(key, 12)
    inp = {}
    inp['x_atoms'] = jax.random.normal(ks[0], (N, D), dtype=jnp.float32)
    inp['edge_index'] = jax.random.randint(ks[1], (2, E), 0, N)
    inp['edge_attr'] = jax.random.normal(ks[2], (E, DE), dtype=jnp.float32)
    inp['frag_index'] = jax.random.randint(ks[3], (2, FE), 0, F)
    inp['x_frags'] = jax.random.normal(ks[4], (F, D), dtype=jnp.float32)
    inp['atom_to_frag_ids'] = jnp.sort(jax.random.randint(ks[5], (N,), 0, F))
    s = 1.0 / np.sqrt(D)
    inp['W_atom'] = jax.random.uniform(ks[6], (D, D), minval=-s, maxval=s, dtype=jnp.float32)
    inp['b_atom'] = jnp.zeros((D,), dtype=jnp.float32)
    se = 1.0 / np.sqrt(DE)
    inp['W_edge'] = jax.random.uniform(ks[7], (D, DE), minval=-se, maxval=se, dtype=jnp.float32)
    inp['b_edge'] = jnp.zeros((D,), dtype=jnp.float32)
    inp['W_frag1'] = jax.random.uniform(ks[8], (2 * D, D), minval=-s, maxval=s, dtype=jnp.float32)
    inp['b_frag1'] = jnp.zeros((2 * D,), dtype=jnp.float32)
    s2 = 1.0 / np.sqrt(2 * D)
    inp['W_frag2'] = jax.random.uniform(ks[9], (D, 2 * D), minval=-s2, maxval=s2, dtype=jnp.float32)
    inp['b_frag2'] = jnp.zeros((D,), dtype=jnp.float32)
    return inp

def reference(x_atoms, edge_index, edge_attr, frag_index, x_frags, atom_to_frag_ids, W_atom, b_atom, W_edge, b_edge, W_frag1, b_frag1, W_frag2, b_frag2):
    n = x_atoms.shape[0]
    loops = jnp.arange(n, dtype=edge_index.dtype)
    ei = jnp.concatenate([edge_index, jnp.stack([loops, loops])], axis=1)
    self_loop_attr = jnp.zeros((n, edge_attr.shape[1]), dtype=edge_attr.dtype)
    ea = jnp.concatenate([edge_attr, self_loop_attr], axis=0)
    x = x_atoms @ W_atom.T + b_atom
    ea = ea @ W_edge.T + b_edge  # computed as in original forward (result unused downstream)
    source, target = ei[0], ei[1]
    src_feats = jnp.take(x, source, axis=0)
    deg = jax.ops.segment_sum(jnp.ones(source.shape[0], dtype=x.dtype), source, num_segments=n)
    dis = deg ** -0.5
    dis = jnp.where(jnp.isinf(dis), jnp.zeros_like(dis), dis)
    norm = jnp.take(dis, source) * jnp.take(dis, target)
    message = src_feats * norm[:, None]
    x_atoms_new = jax.ops.segment_sum(message, target, num_segments=n)
    num_frags = x_frags.shape[0]
    xf = jax.ops.segment_sum(x_atoms_new, atom_to_frag_ids, num_segments=num_frags)
    fs, ft = frag_index[0], frag_index[1]
    frag_message = jnp.take(xf, fs, axis=0)
    frag_feats_sum = jax.ops.segment_sum(frag_message, ft, num_segments=num_frags)
    h = frag_feats_sum @ W_frag1.T + b_frag1
    h = jax.nn.relu(h)
    x_frags_new = h @ W_frag2.T + b_frag2
    return (x_atoms_new, x_frags_new)

if __name__ == "__main__":
    import jax
    _d = setup_inputs()
    print(jax.jit(kernel)(*tuple(_d.values())))

</pallas_src>

<mosaic_0001>
#map = affine_map<(d0, d1) -> (0, 0, 0)>
#map1 = affine_map<(d0, d1) -> (0)>
module attributes {stable_mosaic.version = 14 : i64} {
  func.func @_deg_sc(%arg0: i32, %arg1: i32, %arg2: memref<32x79x128xi32, #tpu.memory_space<hbm>>, %arg3: memref<128xf32, #tpu.memory_space<hbm>>, %arg4: memref<640xf32, #tpu.memory_space<hbm>>, %arg5: memref<20480xf32, #tpu.memory_space<hbm>>, %arg6: memref<10240xf32, #tpu.memory_space<vmem_shared>>, %arg7: memref<79x128xi32, #tpu.memory_space<vmem>>, %arg8: memref<128xf32, #tpu.memory_space<vmem>>) attributes {dimension_semantics = [#tpu.dimension_semantics<core_parallel>, #tpu.dimension_semantics<subcore_parallel>], iteration_bounds = array<i64: 2, 16>, scalar_prefetch = 0 : i64, scratch_operands = 3 : i64, tpu.core_type = #tpu.core_type<sc_vector_subcore>, window_params = [{transform_indices = #map}, {transform_indices = #map1}, {transform_indices = #map1}, {transform_indices = #map1}]} {
    %mul3A = arith.constant 2 : i32
    %mul3A_0 = arith.muli %arg1, %mul3A : i32
    %add3A = arith.addi %mul3A_0, %arg0 : i32
    %mul3A_1 = arith.constant 640 : i32
    %mul3A_2 = arith.muli %arg1, %mul3A_1 : i32
    "tpu.region"() ({
      %run_scoped3A = tpu.sem_alloc : memref<!tpu.dma_semaphore, #tpu.memory_space<semaphore_mem>>
      %dma_start3A = tpu.memref_slice %arg6[%mul3A_2] : memref<10240xf32, #tpu.memory_space<vmem_shared>> -> memref<640xf32, #tpu.memory_space<vmem_shared>>
      tpu.enqueue_dma source(%arg4 : memref<640xf32, #tpu.memory_space<hbm>>) target(%dma_start3A : memref<640xf32, #tpu.memory_space<vmem_shared>>) target_semaphore(%run_scoped3A : memref<!tpu.dma_semaphore, #tpu.memory_space<semaphore_mem>>)
      %dma_wait3A = tpu.memref_slice %arg6[%mul3A_2] : memref<10240xf32, #tpu.memory_space<vmem_shared>> -> memref<640xf32, #tpu.memory_space<vmem_shared>>
      tpu.wait_dma2 semaphore(%run_scoped3A : memref<!tpu.dma_semaphore, #tpu.memory_space<semaphore_mem>>) src(%arg4 : memref<640xf32, #tpu.memory_space<hbm>>) dst(%dma_wait3A : memref<640xf32, #tpu.memory_space<vmem_shared>>)
      tpu.yield
    }) : () -> ()
    "tpu.region"() ({
      %run_scoped3A = tpu.sem_alloc : memref<!tpu.dma_semaphore, #tpu.memory_space<semaphore_mem>>
      tpu.enqueue_dma source(%arg3 : memref<128xf32, #tpu.memory_space<hbm>>) target(%arg8 : memref<128xf32, #tpu.memory_space<vmem>>) target_semaphore(%run_scoped3A : memref<!tpu.dma_semaphore, #tpu.memory_space<semaphore_mem>>)
      tpu.wait_dma2 semaphore(%run_scoped3A : memref<!tpu.dma_semaphore, #tpu.memory_space<semaphore_mem>>) src(%arg3 : memref<128xf32, #tpu.memory_space<hbm>>) dst(%arg8 : memref<128xf32, #tpu.memory_space<vmem>>)
      tpu.yield
    }) : () -> ()
    "tpu.region"() ({
      %run_scoped3A = tpu.sem_alloc : memref<!tpu.dma_semaphore, #tpu.memory_space<semaphore_mem>>
      %dma_start3A = arith.constant 0 : i32
      %dma_start3A_16 = arith.constant 0 : i32
      %dma_start3A_17 = tpu.memref_slice %arg2[%add3A, %dma_start3A, %dma_start3A_16] : memref<32x79x128xi32, #tpu.memory_space<hbm>> -> memref<1x79x128xi32, #tpu.memory_space<hbm>>
      %dma_start3A_18 = tpu.memref_squeeze %dma_start3A_17 : memref<1x79x128xi32, #tpu.memory_space<hbm>> -> memref<79x128xi32, #tpu.memory_space<hbm>>
      %dma_start3A_19 = arith.constant 0 : i32
      %dma_start3A_20 = arith.constant 0 : i32
      %dma_start3A_21 = tpu.memref_slice %arg2[%add3A, %dma_start3A_19, %dma_start3A_20] : memref<32x79x128xi32, #tpu.memory_space<hbm>> -> memref<1x79x128xi32, #tpu.memory_space<hbm>>
      %dma_start3A_22 = tpu.memref_squeeze %dma_start3A_21 : memref<1x79x128xi32, #tpu.memory_space<hbm>> -> memref<79x128xi32, #tpu.memory_space<hbm>>
      tpu.enqueue_dma source(%dma_start3A_22 : memref<79x128xi32, #tpu.memory_space<hbm>>) target(%arg7 : memref<79x128xi32, #tpu.memory_space<vmem>>) target_semaphore(%run_scoped3A : memref<!tpu.dma_semaphore, #tpu.memory_space<semaphore_mem>>)
      %dma_wait3A = arith.constant 0 : i32
      %dma_wait3A_23 = arith.constant 0 : i32
      %dma_wait3A_24 = tpu.memref_slice %arg2[%add3A, %dma_wait3A, %dma_wait3A_23] : memref<32x79x128xi32, #tpu.memory_space<hbm>> -> memref<1x79x128xi32, #tpu.memory_space<hbm>>
      %dma_wait3A_25 = tpu.memref_squeeze %dma_wait3A_24 : memref<1x79x128xi32, #tpu.memory_space<hbm>> -> memref<79x128xi32, #tpu.memory_space<hbm>>
      %dma_wait3A_26 = arith.constant 0 : i32
      %dma_wait3A_27 = arith.constant 0 : i32
      %dma_wait3A_28 = tpu.memref_slice %arg2[%add3A, %dma_wait3A_26, %dma_wait3A_27] : memref<32x79x128xi32, #tpu.memory_space<hbm>> -> memref<1x79x128xi32, #tpu.memory_space<hbm>>
      %dma_wait3A_29 = tpu.memref_squeeze %dma_wait3A_28 : memref<1x79x128xi32, #tpu.memory_space<hbm>> -> memref<79x128xi32, #tpu.memory_space<hbm>>
      tpu.wait_dma2 semaphore(%run_scoped3A : memref<!tpu.dma_semaphore, #tpu.memory_space<semaphore_mem>>) src(%dma_wait3A_29 : memref<79x128xi32, #tpu.memory_space<hbm>>) dst(%arg7 : memref<79x128xi32, #tpu.memory_space<vmem>>)
      tpu.yield
    }) : () -> ()
    %barrier3A = arith.constant 0 : index
    tpu.barrier barrier_id(%barrier3A)
    %scan3A = arith.constant 0 : i32
    %scan3A_3 = arith.constant 0 : i32
    %scan3A_4 = arith.constant 79 : i32
    %scan3A_5 = arith.addi %scan3A_3, %scan3A_4 : i32
    %scan3A_6 = arith.constant 1 : i32
    scf.for %scan3A_16 = %scan3A_3 to %scan3A_5 step %scan3A_6  : i32 {
      "tpu.region"() ({
        %run_scoped3A = tpu.sem_alloc : memref<!tpu.dma_semaphore, #tpu.memory_space<semaphore_mem>>
        %dma_start3A = arith.constant 0 : i32
        %dma_start3A_17 = tpu.memref_slice %arg7[%scan3A_16, %dma_start3A] : memref<79x128xi32, #tpu.memory_space<vmem>> -> memref<1x128xi32, #tpu.memory_space<vmem>>
        %dma_start3A_18 = tpu.memref_squeeze %dma_start3A_17 : memref<1x128xi32, #tpu.memory_space<vmem>> -> memref<128xi32, #tpu.memory_space<vmem>>
        %dma_start3A_19 = arith.constant 0 : i32
        %dma_start3A_20 = tpu.memref_slice %arg6[%dma_start3A_19] : memref<10240xf32, #tpu.memory_space<vmem_shared>> -> memref<10240xf32, #tpu.memory_space<vmem_shared>>
        tpu.enqueue_indirect_dma source(%arg8 : memref<128xf32, #tpu.memory_space<vmem>>) target(%dma_start3A_20 : memref<10240xf32, #tpu.memory_space<vmem_shared>>) offsets(%dma_start3A_18 : memref<128xi32, #tpu.memory_space<vmem>>) semaphore(%run_scoped3A : memref<!tpu.dma_semaphore, #tpu.memory_space<semaphore_mem>>) {add = true}
        %dma_wait3A = arith.constant 0 : i32
        %dma_wait3A_21 = tpu.memref_slice %arg7[%scan3A_16, %dma_wait3A] : memref<79x128xi32, #tpu.memory_space<vmem>> -> memref<1x128xi32, #tpu.memory_space<vmem>>
        %dma_wait3A_22 = tpu.memref_squeeze %dma_wait3A_21 : memref<1x128xi32, #tpu.memory_space<vmem>> -> memref<128xi32, #tpu.memory_space<vmem>>
        %dma_wait3A_23 = arith.constant 0 : i32
        %dma_wait3A_24 = tpu.memref_slice %arg6[%dma_wait3A_23] : memref<10240xf32, #tpu.memory_space<vmem_shared>> -> memref<10240xf32, #tpu.memory_space<vmem_shared>>
        tpu.wait_indirect_dma semaphore(%run_scoped3A : memref<!tpu.dma_semaphore, #tpu.memory_space<semaphore_mem>>) src(%arg8 : memref<128xf32, #tpu.memory_space<vmem>>) dst(%dma_wait3A_24 : memref<10240xf32, #tpu.memory_space<vmem_shared>>)
        tpu.yield
      }) : () -> ()
    }
    %scan3A_7 = arith.constant 79 : i32
    %barrier3A_8 = arith.constant 0 : index
    tpu.barrier barrier_id(%barrier3A_8)
    %mul3A_9 = arith.constant 640 : i32
    %mul3A_10 = arith.muli %arg1, %mul3A_9 : i32
    %mul3A_11 = arith.constant 10240 : i32
    %mul3A_12 = arith.muli %arg0, %mul3A_11 : i32
    %mul3A_13 = arith.constant 640 : i32
    %mul3A_14 = arith.muli %arg1, %mul3A_13 : i32
    %add3A_15 = arith.addi %mul3A_12, %mul3A_14 : i32
    "tpu.region"() ({
      %run_scoped3A = tpu.sem_alloc : memref<!tpu.dma_semaphore, #tpu.memory_space<semaphore_mem>>
      %dma_start3A = tpu.memref_slice %arg5[%add3A_15] : memref<20480xf32, #tpu.memory_space<hbm>> -> memref<640xf32, #tpu.memory_space<hbm>>
      %dma_start3A_16 = tpu.memref_slice %arg6[%mul3A_10] : memref<10240xf32, #tpu.memory_space<vmem_shared>> -> memref<640xf32, #tpu.memory_space<vmem_shared>>
      tpu.enqueue_dma source(%dma_start3A_16 : memref<640xf32, #tpu.memory_space<vmem_shared>>) target(%dma_start3A : memref<640xf32, #tpu.memory_space<hbm>>) target_semaphore(%run_scoped3A : memref<!tpu.dma_semaphore, #tpu.memory_space<semaphore_mem>>)
      %dma_wait3A = tpu.memref_slice %arg5[%add3A_15] : memref<20480xf32, #tpu.memory_space<hbm>> -> memref<640xf32, #tpu.memory_space<hbm>>
      %dma_wait3A_17 = tpu.memref_slice %arg6[%mul3A_10] : memref<10240xf32, #tpu.memory_space<vmem_shared>> -> memref<640xf32, #tpu.memory_space<vmem_shared>>
      tpu.wait_dma2 semaphore(%run_scoped3A : memref<!tpu.dma_semaphore, #tpu.memory_space<semaphore_mem>>) src(%dma_wait3A_17 : memref<640xf32, #tpu.memory_space<vmem_shared>>) dst(%dma_wait3A : memref<640xf32, #tpu.memory_space<hbm>>)
      tpu.yield
    }) : () -> ()
    return
  }
}

#map = affine_map<(d0, d1) -> (0, 0)>
#map1 = affine_map<(d0, d1) -> (0, 0, 0)>
module attributes {stable_mosaic.version = 14 : i64} {
  func.func @_edge_sc(%arg0: i32, %arg1: i32, %arg2: memref<10240x128xf32, #tpu.memory_space<hbm>>, %arg3: memref<32x79x128xi32, #tpu.memory_space<hbm>>, %arg4: memref<32x79x128xi32, #tpu.memory_space<hbm>>, %arg5: memref<640x128xf32, #tpu.memory_space<hbm>>, %arg6: memref<20480x128xf32, #tpu.memory_space<hbm>>, %arg7: memref<10240x128xf32, #tpu.memory_space<vmem_shared>>, %arg8: memref<79x128xi32, #tpu.memory_space<vmem>>, %arg9: memref<79x128xi32, #tpu.memory_space<vmem>>, %arg10: memref<128x128xf32, #tpu.memory_space<vmem>>) attributes {dimension_semantics = [#tpu.dimension_semantics<core_parallel>, #tpu.dimension_semantics<subcore_parallel>], iteration_bounds = array<i64: 2, 16>, scalar_prefetch = 0 : i64, scratch_operands = 4 : i64, tpu.core_type = #tpu.core_type<sc_vector_subcore>, window_params = [{transform_indices = #map}, {transform_indices = #map1}, {transform_indices = #map1}, {transform_indices = #map}, {transform_indices = #map}]} {
    %mul3A = arith.constant 2 : i32
    %mul3A_0 = arith.muli %arg1, %mul3A : i32
    %add3A = arith.addi %mul3A_0, %arg0 : i32
    %mul3A_1 = arith.constant 640 : i32
    %mul3A_2 = arith.muli %arg1, %mul3A_1 : i32
    "tpu.region"() ({
      %run_scoped3A = tpu.sem_alloc : memref<!tpu.dma_semaphore, #tpu.memory_space<semaphore_mem>>
      %dma_start3A = arith.constant 0 : i32
      %dma_start3A_16 = tpu.memref_slice %arg7[%mul3A_2, %dma_start3A] : memref<10240x128xf32, #tpu.memory_space<vmem_shared>> -> memref<640x128xf32, #tpu.memory_space<vmem_shared>>
      tpu.enqueue_dma source(%arg5 : memref<640x128xf32, #tpu.memory_space<hbm>>) target(%dma_start3A_16 : memref<640x128xf32, #tpu.memory_space<vmem_shared>>) target_semaphore(%run_scoped3A : memref<!tpu.dma_semaphore, #tpu.memory_space<semaphore_mem>>)
      %dma_wait3A = arith.constant 0 : i32
      %dma_wait3A_17 = tpu.memref_slice %arg7[%mul3A_2, %dma_wait3A] : memref<10240x128xf32, #tpu.memory_space<vmem_shared>> -> memref<640x128xf32, #tpu.memory_space<vmem_shared>>
      tpu.wait_dma2 semaphore(%run_scoped3A : memref<!tpu.dma_semaphore, #tpu.memory_space<semaphore_mem>>) src(%arg5 : memref<640x128xf32, #tpu.memory_space<hbm>>) dst(%dma_wait3A_17 : memref<640x128xf32, #tpu.memory_space<vmem_shared>>)
      tpu.yield
    }) : () -> ()
    "tpu.region"() ({
      %run_scoped3A = tpu.sem_alloc : memref<!tpu.dma_semaphore, #tpu.memory_space<semaphore_mem>>
      %dma_start3A = arith.constant 0 : i32
      %dma_start3A_16 = arith.constant 0 : i32
      %dma_start3A_17 = tpu.memref_slice %arg3[%add3A, %dma_start3A, %dma_start3A_16] : memref<32x79x128xi32, #tpu.memory_space<hbm>> -> memref<1x79x128xi32, #tpu.memory_space<hbm>>
      %dma_start3A_18 = tpu.memref_squeeze %dma_start3A_17 : memref<1x79x128xi32, #tpu.memory_space<hbm>> -> memref<79x128xi32, #tpu.memory_space<hbm>>
      %dma_start3A_19 = arith.constant 0 : i32
      %dma_start3A_20 = arith.constant 0 : i32
      %dma_start3A_21 = tpu.memref_slice %arg3[%add3A, %dma_start3A_19, %dma_start3A_20] : memref<32x79x128xi32, #tpu.memory_space<hbm>> -> memref<1x79x128xi32, #tpu.memory_space<hbm>>
      %dma_start3A_22 = tpu.memref_squeeze %dma_start3A_21 : memref<1x79x128xi32, #tpu.memory_space<hbm>> -> memref<79x128xi32, #tpu.memory_space<hbm>>
      tpu.enqueue_dma source(%dma_start3A_22 : memref<79x128xi32, #tpu.memory_space<hbm>>) target(%arg8 : memref<79x128xi32, #tpu.memory_space<vmem>>) target_semaphore(%run_scoped3A : memref<!tpu.dma_semaphore, #tpu.memory_space<semaphore_mem>>)
      %dma_wait3A = arith.constant 0 : i32
      %dma_wait3A_23 = arith.constant 0 : i32
      %dma_wait3A_24 = tpu.memref_slice %arg3[%add3A, %dma_wait3A, %dma_wait3A_23] : memref<32x79x128xi32, #tpu.memory_space<hbm>> -> memref<1x79x128xi32, #tpu.memory_space<hbm>>
      %dma_wait3A_25 = tpu.memref_squeeze %dma_wait3A_24 : memref<1x79x128xi32, #tpu.memory_space<hbm>> -> memref<79x128xi32, #tpu.memory_space<hbm>>
      %dma_wait3A_26 = arith.constant 0 : i32
      %dma_wait3A_27 = arith.constant 0 : i32
      %dma_wait3A_28 = tpu.memref_slice %arg3[%add3A, %dma_wait3A_26, %dma_wait3A_27] : memref<32x79x128xi32, #tpu.memory_space<hbm>> -> memref<1x79x128xi32, #tpu.memory_space<hbm>>
      %dma_wait3A_29 = tpu.memref_squeeze %dma_wait3A_28 : memref<1x79x128xi32, #tpu.memory_space<hbm>> -> memref<79x128xi32, #tpu.memory_space<hbm>>
      tpu.wait_dma2 semaphore(%run_scoped3A : memref<!tpu.dma_semaphore, #tpu.memory_space<semaphore_mem>>) src(%dma_wait3A_29 : memref<79x128xi32, #tpu.memory_space<hbm>>) dst(%arg8 : memref<79x128xi32, #tpu.memory_space<vmem>>)
      tpu.yield
    }) : () -> ()
    "tpu.region"() ({
      %run_scoped3A = tpu.sem_alloc : memref<!tpu.dma_semaphore, #tpu.memory_space<semaphore_mem>>
      %dma_start3A = arith.constant 0 : i32
      %dma_start3A_16 = arith.constant 0 : i32
      %dma_start3A_17 = tpu.memref_slice %arg4[%add3A, %dma_start3A, %dma_start3A_16] : memref<32x79x128xi32, #tpu.memory_space<hbm>> -> memref<1x79x128xi32, #tpu.memory_space<hbm>>
      %dma_start3A_18 = tpu.memref_squeeze %dma_start3A_17 : memref<1x79x128xi32, #tpu.memory_space<hbm>> -> memref<79x128xi32, #tpu.memory_space<hbm>>
      %dma_start3A_19 = arith.constant 0 : i32
      %dma_start3A_20 = arith.constant 0 : i32
      %dma_start3A_21 = tpu.memref_slice %arg4[%add3A, %dma_start3A_19, %dma_start3A_20] : memref<32x79x128xi32, #tpu.memory_space<hbm>> -> memref<1x79x128xi32, #tpu.memory_space<hbm>>
      %dma_start3A_22 = tpu.memref_squeeze %dma_start3A_21 : memref<1x79x128xi32, #tpu.memory_space<hbm>> -> memref<79x128xi32, #tpu.memory_space<hbm>>
      tpu.enqueue_dma source(%dma_start3A_22 : memref<79x128xi32, #tpu.memory_space<hbm>>) target(%arg9 : memref<79x128xi32, #tpu.memory_space<vmem>>) target_semaphore(%run_scoped3A : memref<!tpu.dma_semaphore, #tpu.memory_space<semaphore_mem>>)
      %dma_wait3A = arith.constant 0 : i32
      %dma_wait3A_23 = arith.constant 0 : i32
      %dma_wait3A_24 = tpu.memref_slice %arg4[%add3A, %dma_wait3A, %dma_wait3A_23] : memref<32x79x128xi32, #tpu.memory_space<hbm>> -> memref<1x79x128xi32, #tpu.memory_space<hbm>>
      %dma_wait3A_25 = tpu.memref_squeeze %dma_wait3A_24 : memref<1x79x128xi32, #tpu.memory_space<hbm>> -> memref<79x128xi32, #tpu.memory_space<hbm>>
      %dma_wait3A_26 = arith.constant 0 : i32
      %dma_wait3A_27 = arith.constant 0 : i32
      %dma_wait3A_28 = tpu.memref_slice %arg4[%add3A, %dma_wait3A_26, %dma_wait3A_27] : memref<32x79x128xi32, #tpu.memory_space<hbm>> -> memref<1x79x128xi32, #tpu.memory_space<hbm>>
      %dma_wait3A_29 = tpu.memref_squeeze %dma_wait3A_28 : memref<1x79x128xi32, #tpu.memory_space<hbm>> -> memref<79x128xi32, #tpu.memory_space<hbm>>
      tpu.wait_dma2 semaphore(%run_scoped3A : memref<!tpu.dma_semaphore, #tpu.memory_space<semaphore_mem>>) src(%dma_wait3A_29 : memref<79x128xi32, #tpu.memory_space<hbm>>) dst(%arg9 : memref<79x128xi32, #tpu.memory_space<vmem>>)
      tpu.yield
    }) : () -> ()
    %barrier3A = arith.constant 0 : index
    tpu.barrier barrier_id(%barrier3A)
    %scan3A = arith.constant 0 : i32
    %scan3A_3 = arith.constant 0 : i32
    %scan3A_4 = arith.constant 79 : i32
    %scan3A_5 = arith.addi %scan3A_3, %scan3A_4 : i32
    %scan3A_6 = arith.constant 1 : i32
    scf.for %scan3A_16 = %scan3A_3 to %scan3A_5 step %scan3A_6  : i32 {
      "tpu.region"() ({
        %run_scoped3A = tpu.sem_alloc : memref<!tpu.dma_semaphore, #tpu.memory_space<semaphore_mem>>
        %dma_start3A = arith.constant 0 : i32
        %dma_start3A_17 = tpu.memref_slice %arg8[%scan3A_16, %dma_start3A] : memref<79x128xi32, #tpu.memory_space<vmem>> -> memref<1x128xi32, #tpu.memory_space<vmem>>
        %dma_start3A_18 = tpu.memref_squeeze %dma_start3A_17 : memref<1x128xi32, #tpu.memory_space<vmem>> -> memref<128xi32, #tpu.memory_space<vmem>>
        %dma_start3A_19 = arith.constant 0 : i32
        %dma_start3A_20 = arith.constant 0 : i32
        %dma_start3A_21 = tpu.memref_slice %arg2[%dma_start3A_19, %dma_start3A_20] : memref<10240x128xf32, #tpu.memory_space<hbm>> -> memref<10240x128xf32, #tpu.memory_space<hbm>>
        tpu.enqueue_indirect_dma source(%dma_start3A_21 : memref<10240x128xf32, #tpu.memory_space<hbm>>) target(%arg10 : memref<128x128xf32, #tpu.memory_space<vmem>>) offsets(%dma_start3A_18 : memref<128xi32, #tpu.memory_space<vmem>>) semaphore(%run_scoped3A : memref<!tpu.dma_semaphore, #tpu.memory_space<semaphore_mem>>)
        %dma_wait3A = arith.constant 0 : i32
        %dma_wait3A_22 = tpu.memref_slice %arg8[%scan3A_16, %dma_wait3A] : memref<79x128xi32, #tpu.memory_space<vmem>> -> memref<1x128xi32, #tpu.memory_space<vmem>>
        %dma_wait3A_23 = tpu.memref_squeeze %dma_wait3A_22 : memref<1x128xi32, #tpu.memory_space<vmem>> -> memref<128xi32, #tpu.memory_space<vmem>>
        %dma_wait3A_24 = arith.constant 0 : i32
        %dma_wait3A_25 = arith.constant 0 : i32
        %dma_wait3A_26 = tpu.memref_slice %arg2[%dma_wait3A_24, %dma_wait3A_25] : memref<10240x128xf32, #tpu.memory_space<hbm>> -> memref<10240x128xf32, #tpu.memory_space<hbm>>
        tpu.wait_indirect_dma semaphore(%run_scoped3A : memref<!tpu.dma_semaphore, #tpu.memory_space<semaphore_mem>>) src(%dma_wait3A_26 : memref<10240x128xf32, #tpu.memory_space<hbm>>) dst(%arg10 : memref<128x128xf32, #tpu.memory_space<vmem>>)
        tpu.yield
      }) : () -> ()
      "tpu.region"() ({
        %run_scoped3A = tpu.sem_alloc : memref<!tpu.dma_semaphore, #tpu.memory_space<semaphore_mem>>
        %dma_start3A = arith.constant 0 : i32
        %dma_start3A_17 = tpu.memref_slice %arg9[%scan3A_16, %dma_start3A] : memref<79x128xi32, #tpu.memory_space<vmem>> -> memref<1x128xi32, #tpu.memory_space<vmem>>
        %dma_start3A_18 = tpu.memref_squeeze %dma_start3A_17 : memref<1x128xi32, #tpu.memory_space<vmem>> -> memref<128xi32, #tpu.memory_space<vmem>>
        %dma_start3A_19 = arith.constant 0 : i32
        %dma_start3A_20 = arith.constant 0 : i32
        %dma_start3A_21 = tpu.memref_slice %arg7[%dma_start3A_19, %dma_start3A_20] : memref<10240x128xf32, #tpu.memory_space<vmem_shared>> -> memref<10240x128xf32, #tpu.memory_space<vmem_shared>>
        tpu.enqueue_indirect_dma source(%arg10 : memref<128x128xf32, #tpu.memory_space<vmem>>) target(%dma_start3A_21 : memref<10240x128xf32, #tpu.memory_space<vmem_shared>>) offsets(%dma_start3A_18 : memref<128xi32, #tpu.memory_space<vmem>>) semaphore(%run_scoped3A : memref<!tpu.dma_semaphore, #tpu.memory_space<semaphore_mem>>) {add = true}
        %dma_wait3A = arith.constant 0 : i32
        %dma_wait3A_22 = tpu.memref_slice %arg9[%scan3A_16, %dma_wait3A] : memref<79x128xi32, #tpu.memory_space<vmem>> -> memref<1x128xi32, #tpu.memory_space<vmem>>
        %dma_wait3A_23 = tpu.memref_squeeze %dma_wait3A_22 : memref<1x128xi32, #tpu.memory_space<vmem>> -> memref<128xi32, #tpu.memory_space<vmem>>
        %dma_wait3A_24 = arith.constant 0 : i32
        %dma_wait3A_25 = arith.constant 0 : i32
        %dma_wait3A_26 = tpu.memref_slice %arg7[%dma_wait3A_24, %dma_wait3A_25] : memref<10240x128xf32, #tpu.memory_space<vmem_shared>> -> memref<10240x128xf32, #tpu.memory_space<vmem_shared>>
        tpu.wait_indirect_dma semaphore(%run_scoped3A : memref<!tpu.dma_semaphore, #tpu.memory_space<semaphore_mem>>) src(%arg10 : memref<128x128xf32, #tpu.memory_space<vmem>>) dst(%dma_wait3A_26 : memref<10240x128xf32, #tpu.memory_space<vmem_shared>>)
        tpu.yield
      }) : () -> ()
    }
    %scan3A_7 = arith.constant 79 : i32
    %barrier3A_8 = arith.constant 0 : index
    tpu.barrier barrier_id(%barrier3A_8)
    %mul3A_9 = arith.constant 640 : i32
    %mul3A_10 = arith.muli %arg1, %mul3A_9 : i32
    %mul3A_11 = arith.constant 10240 : i32
    %mul3A_12 = arith.muli %arg0, %mul3A_11 : i32
    %mul3A_13 = arith.constant 640 : i32
    %mul3A_14 = arith.muli %arg1, %mul3A_13 : i32
    %add3A_15 = arith.addi %mul3A_12, %mul3A_14 : i32
    "tpu.region"() ({
      %run_scoped3A = tpu.sem_alloc : memref<!tpu.dma_semaphore, #tpu.memory_space<semaphore_mem>>
      %dma_start3A = arith.constant 0 : i32
      %dma_start3A_16 = tpu.memref_slice %arg6[%add3A_15, %dma_start3A] : memref<20480x128xf32, #tpu.memory_space<hbm>> -> memref<640x128xf32, #tpu.memory_space<hbm>>
      %dma_start3A_17 = arith.constant 0 : i32
      %dma_start3A_18 = tpu.memref_slice %arg7[%mul3A_10, %dma_start3A_17] : memref<10240x128xf32, #tpu.memory_space<vmem_shared>> -> memref<640x128xf32, #tpu.memory_space<vmem_shared>>
      tpu.enqueue_dma source(%dma_start3A_18 : memref<640x128xf32, #tpu.memory_space<vmem_shared>>) target(%dma_start3A_16 : memref<640x128xf32, #tpu.memory_space<hbm>>) target_semaphore(%run_scoped3A : memref<!tpu.dma_semaphore, #tpu.memory_space<semaphore_mem>>)
      %dma_wait3A = arith.constant 0 : i32
      %dma_wait3A_19 = tpu.memref_slice %arg6[%add3A_15, %dma_wait3A] : memref<20480x128xf32, #tpu.memory_space<hbm>> -> memref<640x128xf32, #tpu.memory_space<hbm>>
      %dma_wait3A_20 = arith.constant 0 : i32
      %dma_wait3A_21 = tpu.memref_slice %arg7[%mul3A_10, %dma_wait3A_20] : memref<10240x128xf32, #tpu.memory_space<vmem_shared>> -> memref<640x128xf32, #tpu.memory_space<vmem_shared>>
      tpu.wait_dma2 semaphore(%run_scoped3A : memref<!tpu.dma_semaphore, #tpu.memory_space<semaphore_mem>>) src(%dma_wait3A_21 : memref<640x128xf32, #tpu.memory_space<vmem_shared>>) dst(%dma_wait3A_19 : memref<640x128xf32, #tpu.memory_space<hbm>>)
      tpu.yield
    }) : () -> ()
    return
  }
}

#map = affine_map<(d0, d1) -> (0, 0)>
#map1 = affine_map<(d0, d1) -> (0, 0, 0)>
module attributes {stable_mosaic.version = 14 : i64} {
  func.func @_frag_sc(%arg0: i32, %arg1: i32, %arg2: memref<10240x128xf32, #tpu.memory_space<hbm>>, %arg3: memref<16x5x128xi32, #tpu.memory_space<hbm>>, %arg4: memref<32x3x128xi32, #tpu.memory_space<hbm>>, %arg5: memref<32x3x128xi32, #tpu.memory_space<hbm>>, %arg6: memref<640x128xf32, #tpu.memory_space<hbm>>, %arg7: memref<4096x128xf32, #tpu.memory_space<hbm>>, %arg8: memref<2048x128xf32, #tpu.memory_space<vmem_shared>>, %arg9: memref<2048x128xf32, #tpu.memory_space<vmem_shared>>, %arg10: memref<5x128xi32, #tpu.memory_space<vmem>>, %arg11: memref<3x128xi32, #tpu.memory_space<vmem>>, %arg12: memref<3x128xi32, #tpu.memory_space<vmem>>, %arg13: memref<128x128xf32, #tpu.memory_space<vmem>>, %arg14: memref<128x128xf32, #tpu.memory_space<vmem>>, %arg15: memref<!tpu.dma_semaphore, #tpu.memory_space<semaphore_mem>>, %arg16: memref<!tpu.dma_semaphore, #tpu.memory_space<semaphore_mem>>, %arg17: memref<!tpu.dma_semaphore, #tpu.memory_space<semaphore_mem>>, %arg18: memref<!tpu.dma_semaphore, #tpu.memory_space<semaphore_mem>>) attributes {dimension_semantics = [#tpu.dimension_semantics<core_parallel>, #tpu.dimension_semantics<subcore_parallel>], iteration_bounds = array<i64: 2, 16>, scalar_prefetch = 0 : i64, scratch_operands = 11 : i64, tpu.core_type = #tpu.core_type<sc_vector_subcore>, window_params = [{transform_indices = #map}, {transform_indices = #map1}, {transform_indices = #map1}, {transform_indices = #map1}, {transform_indices = #map}, {transform_indices = #map}]} {
    %mul3A = arith.constant 2 : i32
    %mul3A_0 = arith.muli %arg1, %mul3A : i32
    %add3A = arith.addi %mul3A_0, %arg0 : i32
    %mul3A_1 = arith.constant 128 : i32
    %mul3A_2 = arith.muli %arg1, %mul3A_1 : i32
    "tpu.region"() ({
      %run_scoped3A = tpu.sem_alloc : memref<!tpu.dma_semaphore, #tpu.memory_space<semaphore_mem>>
      %dma_start3A_216 = arith.constant 0 : i32
      %dma_start3A_217 = tpu.memref_slice %arg8[%mul3A_2, %dma_start3A_216] : memref<2048x128xf32, #tpu.memory_space<vmem_shared>> -> memref<128x128xf32, #tpu.memory_space<vmem_shared>>
      %dma_start3A_218 = arith.constant 0 : i32
      %dma_start3A_219 = arith.constant 0 : i32
      %dma_start3A_220 = tpu.memref_slice %arg6[%dma_start3A_218, %dma_start3A_219] : memref<640x128xf32, #tpu.memory_space<hbm>> -> memref<128x128xf32, #tpu.memory_space<hbm>>
      tpu.enqueue_dma source(%dma_start3A_220 : memref<128x128xf32, #tpu.memory_space<hbm>>) target(%dma_start3A_217 : memref<128x128xf32, #tpu.memory_space<vmem_shared>>) target_semaphore(%run_scoped3A : memref<!tpu.dma_semaphore, #tpu.memory_space<semaphore_mem>>)
      %dma_wait3A_221 = arith.constant 0 : i32
      %dma_wait3A_222 = tpu.memref_slice %arg8[%mul3A_2, %dma_wait3A_221] : memref<2048x128xf32, #tpu.memory_space<vmem_shared>> -> memref<128x128xf32, #tpu.memory_space<vmem_shared>>
      %dma_wait3A_223 = arith.constant 0 : i32
      %dma_wait3A_224 = arith.constant 0 : i32
      %dma_wait3A_225 = tpu.memref_slice %arg6[%dma_wait3A_223, %dma_wait3A_224] : memref<640x128xf32, #tpu.memory_space<hbm>> -> memref<128x128xf32, #tpu.memory_space<hbm>>
      tpu.wait_dma2 semaphore(%run_scoped3A : memref<!tpu.dma_semaphore, #tpu.memory_space<semaphore_mem>>) src(%dma_wait3A_225 : memref<128x128xf32, #tpu.memory_space<hbm>>) dst(%dma_wait3A_222 : memref<128x128xf32, #tpu.memory_space<vmem_shared>>)
      tpu.yield
    }) : () -> ()
    %mul3A_3 = arith.constant 128 : i32
    %mul3A_4 = arith.muli %arg1, %mul3A_3 : i32
    "tpu.region"() ({
      %run_scoped3A = tpu.sem_alloc : memref<!tpu.dma_semaphore, #tpu.memory_space<semaphore_mem>>
      %dma_start3A_216 = arith.constant 0 : i32
      %dma_start3A_217 = tpu.memref_slice %arg9[%mul3A_4, %dma_start3A_216] : memref<2048x128xf32, #tpu.memory_space<vmem_shared>> -> memref<128x128xf32, #tpu.memory_space<vmem_shared>>
      %dma_start3A_218 = arith.constant 0 : i32
      %dma_start3A_219 = arith.constant 0 : i32
      %dma_start3A_220 = tpu.memref_slice %arg6[%dma_start3A_218, %dma_start3A_219] : memref<640x128xf32, #tpu.memory_space<hbm>> -> memref<128x128xf32, #tpu.memory_space<hbm>>
      tpu.enqueue_dma source(%dma_start3A_220 : memref<128x128xf32, #tpu.memory_space<hbm>>) target(%dma_start3A_217 : memref<128x128xf32, #tpu.memory_space<vmem_shared>>) target_semaphore(%run_scoped3A : memref<!tpu.dma_semaphore, #tpu.memory_space<semaphore_mem>>)
      %dma_wait3A_221 = arith.constant 0 : i32
      %dma_wait3A_222 = tpu.memref_slice %arg9[%mul3A_4, %dma_wait3A_221] : memref<2048x128xf32, #tpu.memory_space<vmem_shared>> -> memref<128x128xf32, #tpu.memory_space<vmem_shared>>
      %dma_wait3A_223 = arith.constant 0 : i32
      %dma_wait3A_224 = arith.constant 0 : i32
      %dma_wait3A_225 = tpu.memref_slice %arg6[%dma_wait3A_223, %dma_wait3A_224] : memref<640x128xf32, #tpu.memory_space<hbm>> -> memref<128x128xf32, #tpu.memory_space<hbm>>
      tpu.wait_dma2 semaphore(%run_scoped3A : memref<!tpu.dma_semaphore, #tpu.memory_space<semaphore_mem>>) src(%dma_wait3A_225 : memref<128x128xf32, #tpu.memory_space<hbm>>) dst(%dma_wait3A_222 : memref<128x128xf32, #tpu.memory_space<vmem_shared>>)
      tpu.yield
    }) : () -> ()
    "tpu.region"() ({
      %run_scoped3A = tpu.sem_alloc : memref<!tpu.dma_semaphore, #tpu.memory_space<semaphore_mem>>
      %dma_start3A_216 = arith.constant 0 : i32
      %dma_start3A_217 = arith.constant 0 : i32
      %dma_start3A_218 = tpu.memref_slice %arg3[%arg1, %dma_start3A_216, %dma_start3A_217] : memref<16x5x128xi32, #tpu.memory_space<hbm>> -> memref<1x5x128xi32, #tpu.memory_space<hbm>>
      %dma_start3A_219 = tpu.memref_squeeze %dma_start3A_218 : memref<1x5x128xi32, #tpu.memory_space<hbm>> -> memref<5x128xi32, #tpu.memory_space<hbm>>
      %dma_start3A_220 = arith.constant 0 : i32
      %dma_start3A_221 = arith.constant 0 : i32
      %dma_start3A_222 = tpu.memref_slice %arg3[%arg1, %dma_start3A_220, %dma_start3A_221] : memref<16x5x128xi32, #tpu.memory_space<hbm>> -> memref<1x5x128xi32, #tpu.memory_space<hbm>>
      %dma_start3A_223 = tpu.memref_squeeze %dma_start3A_222 : memref<1x5x128xi32, #tpu.memory_space<hbm>> -> memref<5x128xi32, #tpu.memory_space<hbm>>
      tpu.enqueue_dma source(%dma_start3A_223 : memref<5x128xi32, #tpu.memory_space<hbm>>) target(%arg10 : memref<5x128xi32, #tpu.memory_space<vmem>>) target_semaphore(%run_scoped3A : memref<!tpu.dma_semaphore, #tpu.memory_space<semaphore_mem>>)
      %dma_wait3A_224 = arith.constant 0 : i32
      %dma_wait3A_225 = arith.constant 0 : i32
      %dma_wait3A_226 = tpu.memref_slice %arg3[%arg1, %dma_wait3A_224, %dma_wait3A_225] : memref<16x5x128xi32, #tpu.memory_space<hbm>> -> memref<1x5x128xi32, #tpu.memory_space<hbm>>
      %dma_wait3A_227 = tpu.memref_squeeze %dma_wait3A_226 : memref<1x5x128xi32, #tpu.memory_space<hbm>> -> memref<5x128xi32, #tpu.memory_space<hbm>>
      %dma_wait3A_228 = arith.constant 0 : i32
      %dma_wait3A_229 = arith.constant 0 : i32
      %dma_wait3A_230 = tpu.memref_slice %arg3[%arg1, %dma_wait3A_228, %dma_wait3A_229] : memref<16x5x128xi32, #tpu.memory_space<hbm>> -> memref<1x5x128xi32, #tpu.memory_space<hbm>>
      %dma_wait3A_231 = tpu.memref_squeeze %dma_wait3A_230 : memref<1x5x128xi32, #tpu.memory_space<hbm>> -> memref<5x128xi32, #tpu.memory_space<hbm>>
      tpu.wait_dma2 semaphore(%run_scoped3A : memref<!tpu.dma_semaphore, #tpu.memory_space<semaphore_mem>>) src(%dma_wait3A_231 : memref<5x128xi32, #tpu.memory_space<hbm>>) dst(%arg10 : memref<5x128xi32, #tpu.memory_space<vmem>>)
      tpu.yield
    }) : () -> ()
    "tpu.region"() ({
      %run_scoped3A = tpu.sem_alloc : memref<!tpu.dma_semaphore, #tpu.memory_space<semaphore_mem>>
      %dma_start3A_216 = arith.constant 0 : i32
      %dma_start3A_217 = arith.constant 0 : i32
      %dma_start3A_218 = tpu.memref_slice %arg4[%add3A, %dma_start3A_216, %dma_start3A_217] : memref<32x3x128xi32, #tpu.memory_space<hbm>> -> memref<1x3x128xi32, #tpu.memory_space<hbm>>
      %dma_start3A_219 = tpu.memref_squeeze %dma_start3A_218 : memref<1x3x128xi32, #tpu.memory_space<hbm>> -> memref<3x128xi32, #tpu.memory_space<hbm>>
      %dma_start3A_220 = arith.constant 0 : i32
      %dma_start3A_221 = arith.constant 0 : i32
      %dma_start3A_222 = tpu.memref_slice %arg4[%add3A, %dma_start3A_220, %dma_start3A_221] : memref<32x3x128xi32, #tpu.memory_space<hbm>> -> memref<1x3x128xi32, #tpu.memory_space<hbm>>
      %dma_start3A_223 = tpu.memref_squeeze %dma_start3A_222 : memref<1x3x128xi32, #tpu.memory_space<hbm>> -> memref<3x128xi32, #tpu.memory_space<hbm>>
      tpu.enqueue_dma source(%dma_start3A_223 : memref<3x128xi32, #tpu.memory_space<hbm>>) target(%arg11 : memref<3x128xi32, #tpu.memory_space<vmem>>) target_semaphore(%run_scoped3A : memref<!tpu.dma_semaphore, #tpu.memory_space<semaphore_mem>>)
      %dma_wait3A_224 = arith.constant 0 : i32
      %dma_wait3A_225 = arith.constant 0 : i32
      %dma_wait3A_226 = tpu.memref_slice %arg4[%add3A, %dma_wait3A_224, %dma_wait3A_225] : memref<32x3x128xi32, #tpu.memory_space<hbm>> -> memref<1x3x128xi32, #tpu.memory_space<hbm>>
      %dma_wait3A_227 = tpu.memref_squeeze %dma_wait3A_226 : memref<1x3x128xi32, #tpu.memory_space<hbm>> -> memref<3x128xi32, #tpu.memory_space<hbm>>
      %dma_wait3A_228 = arith.constant 0 : i32
      %dma_wait3A_229 = arith.constant 0 : i32
      %dma_wait3A_230 = tpu.memref_slice %arg4[%add3A, %dma_wait3A_228, %dma_wait3A_229] : memref<32x3x128xi32, #tpu.memory_space<hbm>> -> memref<1x3x128xi32, #tpu.memory_space<hbm>>
      %dma_wait3A_231 = tpu.memref_squeeze %dma_wait3A_230 : memref<1x3x128xi32, #tpu.memory_space<hbm>> -> memref<3x128xi32, #tpu.memory_space<hbm>>
      tpu.wait_dma2 semaphore(%run_scoped3A : memref<!tpu.dma_semaphore, #tpu.memory_space<semaphore_mem>>) src(%dma_wait3A_231 : memref<3x128xi32, #tpu.memory_space<hbm>>) dst(%arg11 : memref<3x128xi32, #tpu.memory_space<vmem>>)
      tpu.yield
    }) : () -> ()
    "tpu.region"() ({
      %run_scoped3A = tpu.sem_alloc : memref<!tpu.dma_semaphore, #tpu.memory_space<semaphore_mem>>
      %dma_start3A_216 = arith.constant 0 : i32
      %dma_start3A_217 = arith.constant 0 : i32
      %dma_start3A_218 = tpu.memref_slice %arg5[%add3A, %dma_start3A_216, %dma_start3A_217] : memref<32x3x128xi32, #tpu.memory_space<hbm>> -> memref<1x3x128xi32, #tpu.memory_space<hbm>>
      %dma_start3A_219 = tpu.memref_squeeze %dma_start3A_218 : memref<1x3x128xi32, #tpu.memory_space<hbm>> -> memref<3x128xi32, #tpu.memory_space<hbm>>
      %dma_start3A_220 = arith.constant 0 : i32
      %dma_start3A_221 = arith.constant 0 : i32
      %dma_start3A_222 = tpu.memref_slice %arg5[%add3A, %dma_start3A_220, %dma_start3A_221] : memref<32x3x128xi32, #tpu.memory_space<hbm>> -> memref<1x3x128xi32, #tpu.memory_space<hbm>>
      %dma_start3A_223 = tpu.memref_squeeze %dma_start3A_222 : memref<1x3x128xi32, #tpu.memory_space<hbm>> -> memref<3x128xi32, #tpu.memory_space<hbm>>
      tpu.enqueue_dma source(%dma_start3A_223 : memref<3x128xi32, #tpu.memory_space<hbm>>) target(%arg12 : memref<3x128xi32, #tpu.memory_space<vmem>>) target_semaphore(%run_scoped3A : memref<!tpu.dma_semaphore, #tpu.memory_space<semaphore_mem>>)
      %dma_wait3A_224 = arith.constant 0 : i32
      %dma_wait3A_225 = arith.constant 0 : i32
      %dma_wait3A_226 = tpu.memref_slice %arg5[%add3A, %dma_wait3A_224, %dma_wait3A_225] : memref<32x3x128xi32, #tpu.memory_space<hbm>> -> memref<1x3x128xi32, #tpu.memory_space<hbm>>
      %dma_wait3A_227 = tpu.memref_squeeze %dma_wait3A_226 : memref<1x3x128xi32, #tpu.memory_space<hbm>> -> memref<3x128xi32, #tpu.memory_space<hbm>>
      %dma_wait3A_228 = arith.constant 0 : i32
      %dma_wait3A_229 = arith.constant 0 : i32
      %dma_wait3A_230 = tpu.memref_slice %arg5[%add3A, %dma_wait3A_228, %dma_wait3A_229] : memref<32x3x128xi32, #tpu.memory_space<hbm>> -> memref<1x3x128xi32, #tpu.memory_space<hbm>>
      %dma_wait3A_231 = tpu.memref_squeeze %dma_wait3A_230 : memref<1x3x128xi32, #tpu.memory_space<hbm>> -> memref<3x128xi32, #tpu.memory_space<hbm>>
      tpu.wait_dma2 semaphore(%run_scoped3A : memref<!tpu.dma_semaphore, #tpu.memory_space<semaphore_mem>>) src(%dma_wait3A_231 : memref<3x128xi32, #tpu.memory_space<hbm>>) dst(%arg12 : memref<3x128xi32, #tpu.memory_space<vmem>>)
      tpu.yield
    }) : () -> ()
    %barrier3A = arith.constant 0 : index
    tpu.barrier barrier_id(%barrier3A)
    %mul3A_5 = arith.constant 640 : i32
    %mul3A_6 = arith.muli %arg1, %mul3A_5 : i32
    %multiple_of3A = tpu.assume_multiple %mul3A_6, 128 : i32
    %dma_start3A = arith.constant 0 : i32
    %dma_start3A_7 = tpu.memref_slice %arg2[%multiple_of3A, %dma_start3A] : memref<10240x128xf32, #tpu.memory_space<hbm>> -> memref<128x128xf32, #tpu.memory_space<hbm>>
    %dma_start3A_8 = arith.constant 0 : i32
    %dma_start3A_9 = tpu.memref_slice %arg2[%multiple_of3A, %dma_start3A_8] : memref<10240x128xf32, #tpu.memory_space<hbm>> -> memref<128x128xf32, #tpu.memory_space<hbm>>
    tpu.enqueue_dma source(%dma_start3A_9 : memref<128x128xf32, #tpu.memory_space<hbm>>) target(%arg13 : memref<128x128xf32, #tpu.memory_space<vmem>>) target_semaphore(%arg15 : memref<!tpu.dma_semaphore, #tpu.memory_space<semaphore_mem>>)
    %add3A_10 = arith.constant 128 : i32
    %add3A_11 = arith.addi %multiple_of3A, %add3A_10 : i32
    %dma_start3A_12 = arith.constant 0 : i32
    %dma_start3A_13 = tpu.memref_slice %arg2[%add3A_11, %dma_start3A_12] : memref<10240x128xf32, #tpu.memory_space<hbm>> -> memref<128x128xf32, #tpu.memory_space<hbm>>
    %dma_start3A_14 = arith.constant 0 : i32
    %dma_start3A_15 = tpu.memref_slice %arg2[%add3A_11, %dma_start3A_14] : memref<10240x128xf32, #tpu.memory_space<hbm>> -> memref<128x128xf32, #tpu.memory_space<hbm>>
    tpu.enqueue_dma source(%dma_start3A_15 : memref<128x128xf32, #tpu.memory_space<hbm>>) target(%arg14 : memref<128x128xf32, #tpu.memory_space<vmem>>) target_semaphore(%arg16 : memref<!tpu.dma_semaphore, #tpu.memory_space<semaphore_mem>>)
    %dma_wait3A = arith.constant 0 : i32
    %dma_wait3A_16 = tpu.memref_slice %arg2[%multiple_of3A, %dma_wait3A] : memref<10240x128xf32, #tpu.memory_space<hbm>> -> memref<128x128xf32, #tpu.memory_space<hbm>>
    %dma_wait3A_17 = arith.constant 0 : i32
    %dma_wait3A_18 = tpu.memref_slice %arg2[%multiple_of3A, %dma_wait3A_17] : memref<10240x128xf32, #tpu.memory_space<hbm>> -> memref<128x128xf32, #tpu.memory_space<hbm>>
    tpu.wait_dma2 semaphore(%arg15 : memref<!tpu.dma_semaphore, #tpu.memory_space<semaphore_mem>>) src(%dma_wait3A_18 : memref<128x128xf32, #tpu.memory_space<hbm>>) dst(%arg13 : memref<128x128xf32, #tpu.memory_space<vmem>>)
    %dma_start3A_19 = arith.constant 0 : i32
    %dma_start3A_20 = arith.constant 0 : i32
    %dma_start3A_21 = tpu.memref_slice %arg10[%dma_start3A_19, %dma_start3A_20] : memref<5x128xi32, #tpu.memory_space<vmem>> -> memref<1x128xi32, #tpu.memory_space<vmem>>
    %dma_start3A_22 = tpu.memref_squeeze %dma_start3A_21 : memref<1x128xi32, #tpu.memory_space<vmem>> -> memref<128xi32, #tpu.memory_space<vmem>>
    %dma_start3A_23 = arith.constant 0 : i32
    %dma_start3A_24 = arith.constant 0 : i32
    %dma_start3A_25 = tpu.memref_slice %arg8[%dma_start3A_23, %dma_start3A_24] : memref<2048x128xf32, #tpu.memory_space<vmem_shared>> -> memref<2048x128xf32, #tpu.memory_space<vmem_shared>>
    tpu.enqueue_indirect_dma source(%arg13 : memref<128x128xf32, #tpu.memory_space<vmem>>) target(%dma_start3A_25 : memref<2048x128xf32, #tpu.memory_space<vmem_shared>>) offsets(%dma_start3A_22 : memref<128xi32, #tpu.memory_space<vmem>>) semaphore(%arg17 : memref<!tpu.dma_semaphore, #tpu.memory_space<semaphore_mem>>) {add = true}
    %dma_wait3A_26 = arith.constant 0 : i32
    %dma_wait3A_27 = arith.constant 0 : i32
    %dma_wait3A_28 = tpu.memref_slice %arg10[%dma_wait3A_26, %dma_wait3A_27] : memref<5x128xi32, #tpu.memory_space<vmem>> -> memref<1x128xi32, #tpu.memory_space<vmem>>
    %dma_wait3A_29 = tpu.memref_squeeze %dma_wait3A_28 : memref<1x128xi32, #tpu.memory_space<vmem>> -> memref<128xi32, #tpu.memory_space<vmem>>
    %dma_wait3A_30 = arith.constant 0 : i32
    %dma_wait3A_31 = arith.constant 0 : i32
    %dma_wait3A_32 = tpu.memref_slice %arg8[%dma_wait3A_30, %dma_wait3A_31] : memref<2048x128xf32, #tpu.memory_space<vmem_shared>> -> memref<2048x128xf32, #tpu.memory_space<vmem_shared>>
    tpu.wait_indirect_dma semaphore(%arg17 : memref<!tpu.dma_semaphore, #tpu.memory_space<semaphore_mem>>) src(%arg13 : memref<128x128xf32, #tpu.memory_space<vmem>>) dst(%dma_wait3A_32 : memref<2048x128xf32, #tpu.memory_space<vmem_shared>>)
    %add3A_33 = arith.constant 256 : i32
    %add3A_34 = arith.addi %multiple_of3A, %add3A_33 : i32
    %dma_start3A_35 = arith.constant 0 : i32
    %dma_start3A_36 = tpu.memref_slice %arg2[%add3A_34, %dma_start3A_35] : memref<10240x128xf32, #tpu.memory_space<hbm>> -> memref<128x128xf32, #tpu.memory_space<hbm>>
    %dma_start3A_37 = arith.constant 0 : i32
    %dma_start3A_38 = tpu.memref_slice %arg2[%add3A_34, %dma_start3A_37] : memref<10240x128xf32, #tpu.memory_space<hbm>> -> memref<128x128xf32, #tpu.memory_space<hbm>>
    tpu.enqueue_dma source(%dma_start3A_38 : memref<128x128xf32, #tpu.memory_space<hbm>>) target(%arg13 : memref<128x128xf32, #tpu.memory_space<vmem>>) target_semaphore(%arg15 : memref<!tpu.dma_semaphore, #tpu.memory_space<semaphore_mem>>)
    %dma_wait3A_39 = arith.constant 0 : i32
    %dma_wait3A_40 = tpu.memref_slice %arg2[%multiple_of3A, %dma_wait3A_39] : memref<10240x128xf32, #tpu.memory_space<hbm>> -> memref<128x128xf32, #tpu.memory_space<hbm>>
    %dma_wait3A_41 = arith.constant 0 : i32
    %dma_wait3A_42 = tpu.memref_slice %arg2[%multiple_of3A, %dma_wait3A_41] : memref<10240x128xf32, #tpu.memory_space<hbm>> -> memref<128x128xf32, #tpu.memory_space<hbm>>
    tpu.wait_dma2 semaphore(%arg16 : memref<!tpu.dma_semaphore, #tpu.memory_space<semaphore_mem>>) src(%dma_wait3A_42 : memref<128x128xf32, #tpu.memory_space<hbm>>) dst(%arg14 : memref<128x128xf32, #tpu.memory_space<vmem>>)
    %dma_start3A_43 = arith.constant 1 : i32
    %dma_start3A_44 = arith.constant 0 : i32
    %dma_start3A_45 = tpu.memref_slice %arg10[%dma_start3A_43, %dma_start3A_44] : memref<5x128xi32, #tpu.memory_space<vmem>> -> memref<1x128xi32, #tpu.memory_space<vmem>>
    %dma_start3A_46 = tpu.memref_squeeze %dma_start3A_45 : memref<1x128xi32, #tpu.memory_space<vmem>> -> memref<128xi32, #tpu.memory_space<vmem>>
    %dma_start3A_47 = arith.constant 0 : i32
    %dma_start3A_48 = arith.constant 0 : i32
    %dma_start3A_49 = tpu.memref_slice %arg8[%dma_start3A_47, %dma_start3A_48] : memref<2048x128xf32, #tpu.memory_space<vmem_shared>> -> memref<2048x128xf32, #tpu.memory_space<vmem_shared>>
    tpu.enqueue_indirect_dma source(%arg14 : memref<128x128xf32, #tpu.memory_space<vmem>>) target(%dma_start3A_49 : memref<2048x128xf32, #tpu.memory_space<vmem_shared>>) offsets(%dma_start3A_46 : memref<128xi32, #tpu.memory_space<vmem>>) semaphore(%arg18 : memref<!tpu.dma_semaphore, #tpu.memory_space<semaphore_mem>>) {add = true}
    %dma_wait3A_50 = arith.constant 1 : i32
    %dma_wait3A_51 = arith.constant 0 : i32
    %dma_wait3A_52 = tpu.memref_slice %arg10[%dma_wait3A_50, %dma_wait3A_51] : memref<5x128xi32, #tpu.memory_space<vmem>> -> memref<1x128xi32, #tpu.memory_space<vmem>>
    %dma_wait3A_53 = tpu.memref_squeeze %dma_wait3A_52 : memref<1x128xi32, #tpu.memory_space<vmem>> -> memref<128xi32, #tpu.memory_space<vmem>>
    %dma_wait3A_54 = arith.constant 0 : i32
    %dma_wait3A_55 = arith.constant 0 : i32
    %dma_wait3A_56 = tpu.memref_slice %arg8[%dma_wait3A_54, %dma_wait3A_55] : memref<2048x128xf32, #tpu.memory_space<vmem_shared>> -> memref<2048x128xf32, #tpu.memory_space<vmem_shared>>
    tpu.wait_indirect_dma semaphore(%arg18 : memref<!tpu.dma_semaphore, #tpu.memory_space<semaphore_mem>>) src(%arg14 : memref<128x128xf32, #tpu.memory_space<vmem>>) dst(%dma_wait3A_56 : memref<2048x128xf32, #tpu.memory_space<vmem_shared>>)
    %add3A_57 = arith.constant 384 : i32
    %add3A_58 = arith.addi %multiple_of3A, %add3A_57 : i32
    %dma_start3A_59 = arith.constant 0 : i32
    %dma_start3A_60 = tpu.memref_slice %arg2[%add3A_58, %dma_start3A_59] : memref<10240x128xf32, #tpu.memory_space<hbm>> -> memref<128x128xf32, #tpu.memory_space<hbm>>
    %dma_start3A_61 = arith.constant 0 : i32
    %dma_start3A_62 = tpu.memref_slice %arg2[%add3A_58, %dma_start3A_61] : memref<10240x128xf32, #tpu.memory_space<hbm>> -> memref<128x128xf32, #tpu.memory_space<hbm>>
    tpu.enqueue_dma source(%dma_start3A_62 : memref<128x128xf32, #tpu.memory_space<hbm>>) target(%arg14 : memref<128x128xf32, #tpu.memory_space<vmem>>) target_semaphore(%arg16 : memref<!tpu.dma_semaphore, #tpu.memory_space<semaphore_mem>>)
    %dma_wait3A_63 = arith.constant 0 : i32
    %dma_wait3A_64 = tpu.memref_slice %arg2[%multiple_of3A, %dma_wait3A_63] : memref<10240x128xf32, #tpu.memory_space<hbm>> -> memref<128x128xf32, #tpu.memory_space<hbm>>
    %dma_wait3A_65 = arith.constant 0 : i32
    %dma_wait3A_66 = tpu.memref_slice %arg2[%multiple_of3A, %dma_wait3A_65] : memref<10240x128xf32, #tpu.memory_space<hbm>> -> memref<128x128xf32, #tpu.memory_space<hbm>>
    tpu.wait_dma2 semaphore(%arg15 : memref<!tpu.dma_semaphore, #tpu.memory_space<semaphore_mem>>) src(%dma_wait3A_66 : memref<128x128xf32, #tpu.memory_space<hbm>>) dst(%arg13 : memref<128x128xf32, #tpu.memory_space<vmem>>)
    %dma_start3A_67 = arith.constant 2 : i32
    %dma_start3A_68 = arith.constant 0 : i32
    %dma_start3A_69 = tpu.memref_slice %arg10[%dma_start3A_67, %dma_start3A_68] : memref<5x128xi32, #tpu.memory_space<vmem>> -> memref<1x128xi32, #tpu.memory_space<vmem>>
    %dma_start3A_70 = tpu.memref_squeeze %dma_start3A_69 : memref<1x128xi32, #tpu.memory_space<vmem>> -> memref<128xi32, #tpu.memory_space<vmem>>
    %dma_start3A_71 = arith.constant 0 : i32
    %dma_start3A_72 = arith.constant 0 : i32
    %dma_start3A_73 = tpu.memref_slice %arg8[%dma_start3A_71, %dma_start3A_72] : memref<2048x128xf32, #tpu.memory_space<vmem_shared>> -> memref<2048x128xf32, #tpu.memory_space<vmem_shared>>
    tpu.enqueue_indirect_dma source(%arg13 : memref<128x128xf32, #tpu.memory_space<vmem>>) target(%dma_start3A_73 : memref<2048x128xf32, #tpu.memory_space<vmem_shared>>) offsets(%dma_start3A_70 : memref<128xi32, #tpu.memory_space<vmem>>) semaphore(%arg17 : memref<!tpu.dma_semaphore, #tpu.memory_space<semaphore_mem>>) {add = true}
    %dma_wait3A_74 = arith.constant 2 : i32
    %dma_wait3A_75 = arith.constant 0 : i32
    %dma_wait3A_76 = tpu.memref_slice %arg10[%dma_wait3A_74, %dma_wait3A_75] : memref<5x128xi32, #tpu.memory_space<vmem>> -> memref<1x128xi32, #tpu.memory_space<vmem>>
    %dma_wait3A_77 = tpu.memref_squeeze %dma_wait3A_76 : memref<1x128xi32, #tpu.memory_space<vmem>> -> memref<128xi32, #tpu.memory_space<vmem>>
    %dma_wait3A_78 = arith.constant 0 : i32
    %dma_wait3A_79 = arith.constant 0 : i32
    %dma_wait3A_80 = tpu.memref_slice %arg8[%dma_wait3A_78, %dma_wait3A_79] : memref<2048x128xf32, #tpu.memory_space<vmem_shared>> -> memref<2048x128xf32, #tpu.memory_space<vmem_shared>>
    tpu.wait_indirect_dma semaphore(%arg17 : memref<!tpu.dma_semaphore, #tpu.memory_space<semaphore_mem>>) src(%arg13 : memref<128x128xf32, #tpu.memory_space<vmem>>) dst(%dma_wait3A_80 : memref<2048x128xf32, #tpu.memory_space<vmem_shared>>)
    %add3A_81 = arith.constant 512 : i32
    %add3A_82 = arith.addi %multiple_of3A, %add3A_81 : i32
    %dma_start3A_83 = arith.constant 0 : i32
    %dma_start3A_84 = tpu.memref_slice %arg2[%add3A_82, %dma_start3A_83] : memref<10240x128xf32, #tpu.memory_space<hbm>> -> memref<128x128xf32, #tpu.memory_space<hbm>>
    %dma_start3A_85 = arith.constant 0 : i32
    %dma_start3A_86 = tpu.memref_slice %arg2[%add3A_82, %dma_start3A_85] : memref<10240x128xf32, #tpu.memory_space<hbm>> -> memref<128x128xf32, #tpu.memory_space<hbm>>
    tpu.enqueue_dma source(%dma_start3A_86 : memref<128x128xf32, #tpu.memory_space<hbm>>) target(%arg13 : memref<128x128xf32, #tpu.memory_space<vmem>>) target_semaphore(%arg15 : memref<!tpu.dma_semaphore, #tpu.memory_space<semaphore_mem>>)
    %dma_wait3A_87 = arith.constant 0 : i32
    %dma_wait3A_88 = tpu.memref_slice %arg2[%multiple_of3A, %dma_wait3A_87] : memref<10240x128xf32, #tpu.memory_space<hbm>> -> memref<128x128xf32, #tpu.memory_space<hbm>>
    %dma_wait3A_89 = arith.constant 0 : i32
    %dma_wait3A_90 = tpu.memref_slice %arg2[%multiple_of3A, %dma_wait3A_89] : memref<10240x128xf32, #tpu.memory_space<hbm>> -> memref<128x128xf32, #tpu.memory_space<hbm>>
    tpu.wait_dma2 semaphore(%arg16 : memref<!tpu.dma_semaphore, #tpu.memory_space<semaphore_mem>>) src(%dma_wait3A_90 : memref<128x128xf32, #tpu.memory_space<hbm>>) dst(%arg14 : memref<128x128xf32, #tpu.memory_space<vmem>>)
    %dma_start3A_91 = arith.constant 3 : i32
    %dma_start3A_92 = arith.constant 0 : i32
    %dma_start3A_93 = tpu.memref_slice %arg10[%dma_start3A_91, %dma_start3A_92] : memref<5x128xi32, #tpu.memory_space<vmem>> -> memref<1x128xi32, #tpu.memory_space<vmem>>
    %dma_start3A_94 = tpu.memref_squeeze %dma_start3A_93 : memref<1x128xi32, #tpu.memory_space<vmem>> -> memref<128xi32, #tpu.memory_space<vmem>>
    %dma_start3A_95 = arith.constant 0 : i32
    %dma_start3A_96 = arith.constant 0 : i32
    %dma_start3A_97 = tpu.memref_slice %arg8[%dma_start3A_95, %dma_start3A_96] : memref<2048x128xf32, #tpu.memory_space<vmem_shared>> -> memref<2048x128xf32, #tpu.memory_space<vmem_shared>>
    tpu.enqueue_indirect_dma source(%arg14 : memref<128x128xf32, #tpu.memory_space<vmem>>) target(%dma_start3A_97 : memref<2048x128xf32, #tpu.memory_space<vmem_shared>>) offsets(%dma_start3A_94 : memref<128xi32, #tpu.memory_space<vmem>>) semaphore(%arg18 : memref<!tpu.dma_semaphore, #tpu.memory_space<semaphore_mem>>) {add = true}
    %dma_wait3A_98 = arith.constant 3 : i32
    %dma_wait3A_99 = arith.constant 0 : i32
    %dma_wait3A_100 = tpu.memref_slice %arg10[%dma_wait3A_98, %dma_wait3A_99] : memref<5x128xi32, #tpu.memory_space<vmem>> -> memref<1x128xi32, #tpu.memory_space<vmem>>
    %dma_wait3A_101 = tpu.memref_squeeze %dma_wait3A_100 : memref<1x128xi32, #tpu.memory_space<vmem>> -> memref<128xi32, #tpu.memory_space<vmem>>
    %dma_wait3A_102 = arith.constant 0 : i32
    %dma_wait3A_103 = arith.constant 0 : i32
    %dma_wait3A_104 = tpu.memref_slice %arg8[%dma_wait3A_102, %dma_wait3A_103] : memref<2048x128xf32, #tpu.memory_space<vmem_shared>> -> memref<2048x128xf32, #tpu.memory_space<vmem_shared>>
    tpu.wait_indirect_dma semaphore(%arg18 : memref<!tpu.dma_semaphore, #tpu.memory_space<semaphore_mem>>) src(%arg14 : memref<128x128xf32, #tpu.memory_space<vmem>>) dst(%dma_wait3A_104 : memref<2048x128xf32, #tpu.memory_space<vmem_shared>>)
    %dma_wait3A_105 = arith.constant 0 : i32
    %dma_wait3A_106 = tpu.memref_slice %arg2[%multiple_of3A, %dma_wait3A_105] : memref<10240x128xf32, #tpu.memory_space<hbm>> -> memref<128x128xf32, #tpu.memory_space<hbm>>
    %dma_wait3A_107 = arith.constant 0 : i32
    %dma_wait3A_108 = tpu.memref_slice %arg2[%multiple_of3A, %dma_wait3A_107] : memref<10240x128xf32, #tpu.memory_space<hbm>> -> memref<128x128xf32, #tpu.memory_space<hbm>>
    tpu.wait_dma2 semaphore(%arg15 : memref<!tpu.dma_semaphore, #tpu.memory_space<semaphore_mem>>) src(%dma_wait3A_108 : memref<128x128xf32, #tpu.memory_space<hbm>>) dst(%arg13 : memref<128x128xf32, #tpu.memory_space<vmem>>)
    %dma_start3A_109 = arith.constant 4 : i32
    %dma_start3A_110 = arith.constant 0 : i32
    %dma_start3A_111 = tpu.memref_slice %arg10[%dma_start3A_109, %dma_start3A_110] : memref<5x128xi32, #tpu.memory_space<vmem>> -> memref<1x128xi32, #tpu.memory_space<vmem>>
    %dma_start3A_112 = tpu.memref_squeeze %dma_start3A_111 : memref<1x128xi32, #tpu.memory_space<vmem>> -> memref<128xi32, #tpu.memory_space<vmem>>
    %dma_start3A_113 = arith.constant 0 : i32
    %dma_start3A_114 = arith.constant 0 : i32
    %dma_start3A_115 = tpu.memref_slice %arg8[%dma_start3A_113, %dma_start3A_114] : memref<2048x128xf32, #tpu.memory_space<vmem_shared>> -> memref<2048x128xf32, #tpu.memory_space<vmem_shared>>
    tpu.enqueue_indirect_dma source(%arg13 : memref<128x128xf32, #tpu.memory_space<vmem>>) target(%dma_start3A_115 : memref<2048x128xf32, #tpu.memory_space<vmem_shared>>) offsets(%dma_start3A_112 : memref<128xi32, #tpu.memory_space<vmem>>) semaphore(%arg17 : memref<!tpu.dma_semaphore, #tpu.memory_space<semaphore_mem>>) {add = true}
    %dma_wait3A_116 = arith.constant 4 : i32
    %dma_wait3A_117 = arith.constant 0 : i32
    %dma_wait3A_118 = tpu.memref_slice %arg10[%dma_wait3A_116, %dma_wait3A_117] : memref<5x128xi32, #tpu.memory_space<vmem>> -> memref<1x128xi32, #tpu.memory_space<vmem>>
    %dma_wait3A_119 = tpu.memref_squeeze %dma_wait3A_118 : memref<1x128xi32, #tpu.memory_space<vmem>> -> memref<128xi32, #tpu.memory_space<vmem>>
    %dma_wait3A_120 = arith.constant 0 : i32
    %dma_wait3A_121 = arith.constant 0 : i32
    %dma_wait3A_122 = tpu.memref_slice %arg8[%dma_wait3A_120, %dma_wait3A_121] : memref<2048x128xf32, #tpu.memory_space<vmem_shared>> -> memref<2048x128xf32, #tpu.memory_space<vmem_shared>>
    tpu.wait_indirect_dma semaphore(%arg17 : memref<!tpu.dma_semaphore, #tpu.memory_space<semaphore_mem>>) src(%arg13 : memref<128x128xf32, #tpu.memory_space<vmem>>) dst(%dma_wait3A_122 : memref<2048x128xf32, #tpu.memory_space<vmem_shared>>)
    %barrier3A_123 = arith.constant 0 : index
    tpu.barrier barrier_id(%barrier3A_123)
    %dma_start3A_124 = arith.constant 0 : i32
    %dma_start3A_125 = arith.constant 0 : i32
    %dma_start3A_126 = tpu.memref_slice %arg11[%dma_start3A_124, %dma_start3A_125] : memref<3x128xi32, #tpu.memory_space<vmem>> -> memref<1x128xi32, #tpu.memory_space<vmem>>
    %dma_start3A_127 = tpu.memref_squeeze %dma_start3A_126 : memref<1x128xi32, #tpu.memory_space<vmem>> -> memref<128xi32, #tpu.memory_space<vmem>>
    %dma_start3A_128 = arith.constant 0 : i32
    %dma_start3A_129 = arith.constant 0 : i32
    %dma_start3A_130 = tpu.memref_slice %arg8[%dma_start3A_128, %dma_start3A_129] : memref<2048x128xf32, #tpu.memory_space<vmem_shared>> -> memref<2048x128xf32, #tpu.memory_space<vmem_shared>>
    tpu.enqueue_indirect_dma source(%dma_start3A_130 : memref<2048x128xf32, #tpu.memory_space<vmem_shared>>) target(%arg13 : memref<128x128xf32, #tpu.memory_space<vmem>>) offsets(%dma_start3A_127 : memref<128xi32, #tpu.memory_space<vmem>>) semaphore(%arg15 : memref<!tpu.dma_semaphore, #tpu.memory_space<semaphore_mem>>)
    %dma_start3A_131 = arith.constant 1 : i32
    %dma_start3A_132 = arith.constant 0 : i32
    %dma_start3A_133 = tpu.memref_slice %arg11[%dma_start3A_131, %dma_start3A_132] : memref<3x128xi32, #tpu.memory_space<vmem>> -> memref<1x128xi32, #tpu.memory_space<vmem>>
    %dma_start3A_134 = tpu.memref_squeeze %dma_start3A_133 : memref<1x128xi32, #tpu.memory_space<vmem>> -> memref<128xi32, #tpu.memory_space<vmem>>
    %dma_start3A_135 = arith.constant 0 : i32
    %dma_start3A_136 = arith.constant 0 : i32
    %dma_start3A_137 = tpu.memref_slice %arg8[%dma_start3A_135, %dma_start3A_136] : memref<2048x128xf32, #tpu.memory_space<vmem_shared>> -> memref<2048x128xf32, #tpu.memory_space<vmem_shared>>
    tpu.enqueue_indirect_dma source(%dma_start3A_137 : memref<2048x128xf32, #tpu.memory_space<vmem_shared>>) target(%arg14 : memref<128x128xf32, #tpu.memory_space<vmem>>) offsets(%dma_start3A_134 : memref<128xi32, #tpu.memory_space<vmem>>) semaphore(%arg16 : memref<!tpu.dma_semaphore, #tpu.memory_space<semaphore_mem>>)
    %dma_wait3A_138 = arith.constant 0 : i32
    %dma_wait3A_139 = arith.constant 0 : i32
    %dma_wait3A_140 = tpu.memref_slice %arg11[%dma_wait3A_138, %dma_wait3A_139] : memref<3x128xi32, #tpu.memory_space<vmem>> -> memref<1x128xi32, #tpu.memory_space<vmem>>
    %dma_wait3A_141 = tpu.memref_squeeze %dma_wait3A_140 : memref<1x128xi32, #tpu.memory_space<vmem>> -> memref<128xi32, #tpu.memory_space<vmem>>
    %dma_wait3A_142 = arith.constant 0 : i32
    %dma_wait3A_143 = arith.constant 0 : i32
    %dma_wait3A_144 = tpu.memref_slice %arg8[%dma_wait3A_142, %dma_wait3A_143] : memref<2048x128xf32, #tpu.memory_space<vmem_shared>> -> memref<2048x128xf32, #tpu.memory_space<vmem_shared>>
    tpu.wait_indirect_dma semaphore(%arg15 : memref<!tpu.dma_semaphore, #tpu.memory_space<semaphore_mem>>) src(%dma_wait3A_144 : memref<2048x128xf32, #tpu.memory_space<vmem_shared>>) dst(%arg13 : memref<128x128xf32, #tpu.memory_space<vmem>>)
    %dma_start3A_145 = arith.constant 0 : i32
    %dma_start3A_146 = arith.constant 0 : i32
    %dma_start3A_147 = tpu.memref_slice %arg12[%dma_start3A_145, %dma_start3A_146] : memref<3x128xi32, #tpu.memory_space<vmem>> -> memref<1x128xi32, #tpu.memory_space<vmem>>
    %dma_start3A_148 = tpu.memref_squeeze %dma_start3A_147 : memref<1x128xi32, #tpu.memory_space<vmem>> -> memref<128xi32, #tpu.memory_space<vmem>>
    %dma_start3A_149 = arith.constant 0 : i32
    %dma_start3A_150 = arith.constant 0 : i32
    %dma_start3A_151 = tpu.memref_slice %arg9[%dma_start3A_149, %dma_start3A_150] : memref<2048x128xf32, #tpu.memory_space<vmem_shared>> -> memref<2048x128xf32, #tpu.memory_space<vmem_shared>>
    tpu.enqueue_indirect_dma source(%arg13 : memref<128x128xf32, #tpu.memory_space<vmem>>) target(%dma_start3A_151 : memref<2048x128xf32, #tpu.memory_space<vmem_shared>>) offsets(%dma_start3A_148 : memref<128xi32, #tpu.memory_space<vmem>>) semaphore(%arg17 : memref<!tpu.dma_semaphore, #tpu.memory_space<semaphore_mem>>) {add = true}
    %dma_wait3A_152 = arith.constant 0 : i32
    %dma_wait3A_153 = arith.constant 0 : i32
    %dma_wait3A_154 = tpu.memref_slice %arg12[%dma_wait3A_152, %dma_wait3A_153] : memref<3x128xi32, #tpu.memory_space<vmem>> -> memref<1x128xi32, #tpu.memory_space<vmem>>
    %dma_wait3A_155 = tpu.memref_squeeze %dma_wait3A_154 : memref<1x128xi32, #tpu.memory_space<vmem>> -> memref<128xi32, #tpu.memory_space<vmem>>
    %dma_wait3A_156 = arith.constant 0 : i32
    %dma_wait3A_157 = arith.constant 0 : i32
    %dma_wait3A_158 = tpu.memref_slice %arg9[%dma_wait3A_156, %dma_wait3A_157] : memref<2048x128xf32, #tpu.memory_space<vmem_shared>> -> memref<2048x128xf32, #tpu.memory_space<vmem_shared>>
    tpu.wait_indirect_dma semaphore(%arg17 : memref<!tpu.dma_semaphore, #tpu.memory_space<semaphore_mem>>) src(%arg13 : memref<128x128xf32, #tpu.memory_space<vmem>>) dst(%dma_wait3A_158 : memref<2048x128xf32, #tpu.memory_space<vmem_shared>>)
    %dma_start3A_159 = arith.constant 2 : i32
    %dma_start3A_160 = arith.constant 0 : i32
    %dma_start3A_161 = tpu.memref_slice %arg11[%dma_start3A_159, %dma_start3A_160] : memref<3x128xi32, #tpu.memory_space<vmem>> -> memref<1x128xi32, #tpu.memory_space<vmem>>
    %dma_start3A_162 = tpu.memref_squeeze %dma_start3A_161 : memref<1x128xi32, #tpu.memory_space<vmem>> -> memref<128xi32, #tpu.memory_space<vmem>>
    %dma_start3A_163 = arith.constant 0 : i32
    %dma_start3A_164 = arith.constant 0 : i32
    %dma_start3A_165 = tpu.memref_slice %arg8[%dma_start3A_163, %dma_start3A_164] : memref<2048x128xf32, #tpu.memory_space<vmem_shared>> -> memref<2048x128xf32, #tpu.memory_space<vmem_shared>>
    tpu.enqueue_indirect_dma source(%dma_start3A_165 : memref<2048x128xf32, #tpu.memory_space<vmem_shared>>) target(%arg13 : memref<128x128xf32, #tpu.memory_space<vmem>>) offsets(%dma_start3A_162 : memref<128xi32, #tpu.memory_space<vmem>>) semaphore(%arg15 : memref<!tpu.dma_semaphore, #tpu.memory_space<semaphore_mem>>)
    %dma_wait3A_166 = arith.constant 1 : i32
    %dma_wait3A_167 = arith.constant 0 : i32
    %dma_wait3A_168 = tpu.memref_slice %arg11[%dma_wait3A_166, %dma_wait3A_167] : memref<3x128xi32, #tpu.memory_space<vmem>> -> memref<1x128xi32, #tpu.memory_space<vmem>>
    %dma_wait3A_169 = tpu.memref_squeeze %dma_wait3A_168 : memref<1x128xi32, #tpu.memory_space<vmem>> -> memref<128xi32, #tpu.memory_space<vmem>>
    %dma_wait3A_170 = arith.constant 0 : i32
    %dma_wait3A_171 = arith.constant 0 : i32
    %dma_wait3A_172 = tpu.memref_slice %arg8[%dma_wait3A_170, %dma_wait3A_171] : memref<2048x128xf32, #tpu.memory_space<vmem_shared>> -> memref<2048x128xf32, #tpu.memory_space<vmem_shared>>
    tpu.wait_indirect_dma semaphore(%arg16 : memref<!tpu.dma_semaphore, #tpu.memory_space<semaphore_mem>>) src(%dma_wait3A_172 : memref<2048x128xf32, #tpu.memory_space<vmem_shared>>) dst(%arg14 : memref<128x128xf32, #tpu.memory_space<vmem>>)
    %dma_start3A_173 = arith.constant 1 : i32
    %dma_start3A_174 = arith.constant 0 : i32
    %dma_start3A_175 = tpu.memref_slice %arg12[%dma_start3A_173, %dma_start3A_174] : memref<3x128xi32, #tpu.memory_space<vmem>> -> memref<1x128xi32, #tpu.memory_space<vmem>>
    %dma_start3A_176 = tpu.memref_squeeze %dma_start3A_175 : memref<1x128xi32, #tpu.memory_space<vmem>> -> memref<128xi32, #tpu.memory_space<vmem>>
    %dma_start3A_177 = arith.constant 0 : i32
    %dma_start3A_178 = arith.constant 0 : i32
    %dma_start3A_179 = tpu.memref_slice %arg9[%dma_start3A_177, %dma_start3A_178] : memref<2048x128xf32, #tpu.memory_space<vmem_shared>> -> memref<2048x128xf32, #tpu.memory_space<vmem_shared>>
    tpu.enqueue_indirect_dma source(%arg14 : memref<128x128xf32, #tpu.memory_space<vmem>>) target(%dma_start3A_179 : memref<2048x128xf32, #tpu.memory_space<vmem_shared>>) offsets(%dma_start3A_176 : memref<128xi32, #tpu.memory_space<vmem>>) semaphore(%arg18 : memref<!tpu.dma_semaphore, #tpu.memory_space<semaphore_mem>>) {add = true}
    %dma_wait3A_180 = arith.constant 1 : i32
    %dma_wait3A_181 = arith.constant 0 : i32
    %dma_wait3A_182 = tpu.memref_slice %arg12[%dma_wait3A_180, %dma_wait3A_181] : memref<3x128xi32, #tpu.memory_space<vmem>> -> memref<1x128xi32, #tpu.memory_space<vmem>>
    %dma_wait3A_183 = tpu.memref_squeeze %dma_wait3A_182 : memref<1x128xi32, #tpu.memory_space<vmem>> -> memref<128xi32, #tpu.memory_space<vmem>>
    %dma_wait3A_184 = arith.constant 0 : i32
    %dma_wait3A_185 = arith.constant 0 : i32
    %dma_wait3A_186 = tpu.memref_slice %arg9[%dma_wait3A_184, %dma_wait3A_185] : memref<2048x128xf32, #tpu.memory_space<vmem_shared>> -> memref<2048x128xf32, #tpu.memory_space<vmem_shared>>
    tpu.wait_indirect_dma semaphore(%arg18 : memref<!tpu.dma_semaphore, #tpu.memory_space<semaphore_mem>>) src(%arg14 : memref<128x128xf32, #tpu.memory_space<vmem>>) dst(%dma_wait3A_186 : memref<2048x128xf32, #tpu.memory_space<vmem_shared>>)
    %dma_wait3A_187 = arith.constant 2 : i32
    %dma_wait3A_188 = arith.constant 0 : i32
    %dma_wait3A_189 = tpu.memref_slice %arg11[%dma_wait3A_187, %dma_wait3A_188] : memref<3x128xi32, #tpu.memory_space<vmem>> -> memref<1x128xi32, #tpu.memory_space<vmem>>
    %dma_wait3A_190 = tpu.memref_squeeze %dma_wait3A_189 : memref<1x128xi32, #tpu.memory_space<vmem>> -> memref<128xi32, #tpu.memory_space<vmem>>
    %dma_wait3A_191 = arith.constant 0 : i32
    %dma_wait3A_192 = arith.constant 0 : i32
    %dma_wait3A_193 = tpu.memref_slice %arg8[%dma_wait3A_191, %dma_wait3A_192] : memref<2048x128xf32, #tpu.memory_space<vmem_shared>> -> memref<2048x128xf32, #tpu.memory_space<vmem_shared>>
    tpu.wait_indirect_dma semaphore(%arg15 : memref<!tpu.dma_semaphore, #tpu.memory_space<semaphore_mem>>) src(%dma_wait3A_193 : memref<2048x128xf32, #tpu.memory_space<vmem_shared>>) dst(%arg13 : memref<128x128xf32, #tpu.memory_space<vmem>>)
    %dma_start3A_194 = arith.constant 2 : i32
    %dma_start3A_195 = arith.constant 0 : i32
    %dma_start3A_196 = tpu.memref_slice %arg12[%dma_start3A_194, %dma_start3A_195] : memref<3x128xi32, #tpu.memory_space<vmem>> -> memref<1x128xi32, #tpu.memory_space<vmem>>
    %dma_start3A_197 = tpu.memref_squeeze %dma_start3A_196 : memref<1x128xi32, #tpu.memory_space<vmem>> -> memref<128xi32, #tpu.memory_space<vmem>>
    %dma_start3A_198 = arith.constant 0 : i32
    %dma_start3A_199 = arith.constant 0 : i32
    %dma_start3A_200 = tpu.memref_slice %arg9[%dma_start3A_198, %dma_start3A_199] : memref<2048x128xf32, #tpu.memory_space<vmem_shared>> -> memref<2048x128xf32, #tpu.memory_space<vmem_shared>>
    tpu.enqueue_indirect_dma source(%arg13 : memref<128x128xf32, #tpu.memory_space<vmem>>) target(%dma_start3A_200 : memref<2048x128xf32, #tpu.memory_space<vmem_shared>>) offsets(%dma_start3A_197 : memref<128xi32, #tpu.memory_space<vmem>>) semaphore(%arg17 : memref<!tpu.dma_semaphore, #tpu.memory_space<semaphore_mem>>) {add = true}
    %dma_wait3A_201 = arith.constant 2 : i32
    %dma_wait3A_202 = arith.constant 0 : i32
    %dma_wait3A_203 = tpu.memref_slice %arg12[%dma_wait3A_201, %dma_wait3A_202] : memref<3x128xi32, #tpu.memory_space<vmem>> -> memref<1x128xi32, #tpu.memory_space<vmem>>
    %dma_wait3A_204 = tpu.memref_squeeze %dma_wait3A_203 : memref<1x128xi32, #tpu.memory_space<vmem>> -> memref<128xi32, #tpu.memory_space<vmem>>
    %dma_wait3A_205 = arith.constant 0 : i32
    %dma_wait3A_206 = arith.constant 0 : i32
    %dma_wait3A_207 = tpu.memref_slice %arg9[%dma_wait3A_205, %dma_wait3A_206] : memref<2048x128xf32, #tpu.memory_space<vmem_shared>> -> memref<2048x128xf32, #tpu.memory_space<vmem_shared>>
    tpu.wait_indirect_dma semaphore(%arg17 : memref<!tpu.dma_semaphore, #tpu.memory_space<semaphore_mem>>) src(%arg13 : memref<128x128xf32, #tpu.memory_space<vmem>>) dst(%dma_wait3A_207 : memref<2048x128xf32, #tpu.memory_space<vmem_shared>>)
    %barrier3A_208 = arith.constant 0 : index
    tpu.barrier barrier_id(%barrier3A_208)
    %mul3A_209 = arith.constant 128 : i32
    %mul3A_210 = arith.muli %arg1, %mul3A_209 : i32
    %mul3A_211 = arith.constant 2048 : i32
    %mul3A_212 = arith.muli %arg0, %mul3A_211 : i32
    %mul3A_213 = arith.constant 128 : i32
    %mul3A_214 = arith.muli %arg1, %mul3A_213 : i32
    %add3A_215 = arith.addi %mul3A_212, %mul3A_214 : i32
    "tpu.region"() ({
      %run_scoped3A = tpu.sem_alloc : memref<!tpu.dma_semaphore, #tpu.memory_space<semaphore_mem>>
      %dma_start3A_216 = arith.constant 0 : i32
      %dma_start3A_217 = tpu.memref_slice %arg7[%add3A_215, %dma_start3A_216] : memref<4096x128xf32, #tpu.memory_space<hbm>> -> memref<128x128xf32, #tpu.memory_space<hbm>>
      %dma_start3A_218 = arith.constant 0 : i32
      %dma_start3A_219 = tpu.memref_slice %arg9[%mul3A_210, %dma_start3A_218] : memref<2048x128xf32, #tpu.memory_space<vmem_shared>> -> memref<128x128xf32, #tpu.memory_space<vmem_shared>>
      tpu.enqueue_dma source(%dma_start3A_219 : memref<128x128xf32, #tpu.memory_space<vmem_shared>>) target(%dma_start3A_217 : memref<128x128xf32, #tpu.memory_space<hbm>>) target_semaphore(%run_scoped3A : memref<!tpu.dma_semaphore, #tpu.memory_space<semaphore_mem>>)
      %dma_wait3A_220 = arith.constant 0 : i32
      %dma_wait3A_221 = tpu.memref_slice %arg7[%add3A_215, %dma_wait3A_220] : memref<4096x128xf32, #tpu.memory_space<hbm>> -> memref<128x128xf32, #tpu.memory_space<hbm>>
      %dma_wait3A_222 = arith.constant 0 : i32
      %dma_wait3A_223 = tpu.memref_slice %arg9[%mul3A_210, %dma_wait3A_222] : memref<2048x128xf32, #tpu.memory_space<vmem_shared>> -> memref<128x128xf32, #tpu.memory_space<vmem_shared>>
      tpu.wait_dma2 semaphore(%run_scoped3A : memref<!tpu.dma_semaphore, #tpu.memory_space<semaphore_mem>>) src(%dma_wait3A_223 : memref<128x128xf32, #tpu.memory_space<vmem_shared>>) dst(%dma_wait3A_221 : memref<128x128xf32, #tpu.memory_space<hbm>>)
      tpu.yield
    }) : () -> ()
    return
  }
}

module attributes {stable_mosaic.version = 14 : i64} {
  func.func @_bk(%arg0: i32, %arg1: memref<640x128xf32, #tpu.memory_space<vmem>>, %arg2: memref<1x1x640xf32, #tpu.memory_space<vmem>>, %arg3: memref<1x1x640xf32, #tpu.memory_space<vmem>>, %arg4: memref<128x128xf32, #tpu.memory_space<vmem>>, %arg5: memref<1x128xf32, #tpu.memory_space<vmem>>, %arg6: memref<640x128xf32, #tpu.memory_space<vmem>>) attributes {dimension_semantics = [#tpu.dimension_semantics<arbitrary>], iteration_bounds = array<i64: 16>, scalar_prefetch = 0 : i64, scratch_operands = 0 : i64, tpu.core_type = #tpu.core_type<tc>, window_params = [{transform_indices = @transform_0, window_bounds = array<i64: 640, 128>}, {transform_indices = @transform_1, window_bounds = array<i64: 1, 1, 640>}, {transform_indices = @transform_2, window_bounds = array<i64: 1, 1, 640>}, {pipeline_mode = #tpu.pipeline_mode<synchronous>, transform_indices = @transform_3, window_bounds = array<i64: 128, 128>}, {pipeline_mode = #tpu.pipeline_mode<synchronous>, transform_indices = @transform_4, window_bounds = array<i64: 1, 128>}, {transform_indices = @transform_5, window_bounds = array<i64: 640, 128>}]} {
    %get3A = arith.constant 0 : index
    %get3A_0 = arith.constant 0 : index
    %get3A_1 = arith.constant 0 : index
    %get3A_2 = vector.load %arg2[%get3A, %get3A_0, %get3A_1] : memref<1x1x640xf32, #tpu.memory_space<vmem>>, vector<1x1x640xf32>
    %get3A_3 = arith.constant 0 : index
    %get3A_4 = arith.constant 0 : index
    %get3A_5 = arith.constant 0 : index
    %get3A_6 = vector.load %arg3[%get3A_3, %get3A_4, %get3A_5] : memref<1x1x640xf32, #tpu.memory_space<vmem>>, vector<1x1x640xf32>
    %add3A = arith.addf %get3A_2, %get3A_6 : vector<1x1x640xf32>
    %add3A_7 = arith.constant 1.000000e+00 : f32
    %add3A_8 = vector.broadcast %add3A_7 : f32 to vector<1x1x640xf32>
    %add3A_9 = arith.addf %add3A, %add3A_8 : vector<1x1x640xf32>
    %rsqrt3A = math.rsqrt %add3A_9 : vector<1x1x640xf32>
    %reshape3A = vector.shape_cast %rsqrt3A : vector<1x1x640xf32> to vector<640x1xf32>
    %get3A_10 = arith.constant 0 : index
    %get3A_11 = arith.constant 0 : index
    %get3A_12 = vector.load %arg1[%get3A_10, %get3A_11] : memref<640x128xf32, #tpu.memory_space<vmem>>, vector<640x128xf32>
    %get3A_13 = arith.constant 0 : index
    %get3A_14 = arith.constant 0 : index
    %get3A_15 = vector.load %arg4[%get3A_13, %get3A_14] : memref<128x128xf32, #tpu.memory_space<vmem>>, vector<128x128xf32>
    %dot_general3A = arith.constant dense<0.000000e+00> : vector<640x128xf32>
    %dot_general3A_16 = tpu.matmul %get3A_12, %get3A_15, %dot_general3A {dimension_numbers = #tpu.dot_dimension_numbers<[1], [1], [0], [0], [0, 0, 1, 0], [], []>, transpose_lhs_hint = false} : vector<640x128xf32>, vector<128x128xf32>, vector<640x128xf32> -> vector<640x128xf32>
    %get3A_17 = arith.constant 0 : index
    %get3A_18 = arith.constant 0 : index
    %get3A_19 = vector.load %arg5[%get3A_17, %get3A_18] : memref<1x128xf32, #tpu.memory_space<vmem>>, vector<1x128xf32>
    %add3A_20 = vector.broadcast %get3A_19 : vector<1x128xf32> to vector<640x128xf32>
    %add3A_21 = arith.addf %dot_general3A_16, %add3A_20 : vector<640x128xf32>
    %mul3A = vector.broadcast %reshape3A : vector<640x1xf32> to vector<640x128xf32>
    %mul3A_22 = arith.mulf %add3A_21, %mul3A : vector<640x128xf32>
    %swap3A = arith.constant 0 : index
    %swap3A_23 = arith.constant 0 : index
    %swap3A_24 = vector.load %arg6[%swap3A, %swap3A_23] : memref<640x128xf32, #tpu.memory_space<vmem>>, vector<640x128xf32>
    tpu.vector_store %arg6[%swap3A, %swap3A_23], %mul3A_22 {strides = array<i32>} : memref<640x128xf32, #tpu.memory_space<vmem>>, vector<640x128xf32>,
    return
  }
  func.func @transform_0(%arg0: i32) -> (i32, i32) {
    %c0_i32 = arith.constant 0 : i32
    %c0_i32_0 = arith.constant 0 : i32
    return %arg0, %c0_i32 : i32, i32
  }
  func.func @transform_1(%arg0: i32) -> (i32, i32, i32) {
    %c0_i32 = arith.constant 0 : i32
    %c0_i32_0 = arith.constant 0 : i32
    %c0_i32_1 = arith.constant 0 : i32
    return %arg0, %c0_i32, %c0_i32_0 : i32, i32, i32
  }
  func.func @transform_2(%arg0: i32) -> (i32, i32, i32) {
    %add3A = arith.constant 16 : i32
    %add3A_0 = arith.addi %add3A, %arg0 : i32
    %c0_i32 = arith.constant 0 : i32
    %c0_i32_1 = arith.constant 0 : i32
    %c0_i32_2 = arith.constant 0 : i32
    return %add3A_0, %c0_i32, %c0_i32_1 : i32, i32, i32
  }
  func.func @transform_3(%arg0: i32) -> (i32, i32) {
    %c0_i32 = arith.constant 0 : i32
    %c0_i32_0 = arith.constant 0 : i32
    %c0_i32_1 = arith.constant 0 : i32
    return %c0_i32, %c0_i32_0 : i32, i32
  }
  func.func @transform_4(%arg0: i32) -> (i32, i32) {
    %c0_i32 = arith.constant 0 : i32
    %c0_i32_0 = arith.constant 0 : i32
    %c0_i32_1 = arith.constant 0 : i32
    return %c0_i32, %c0_i32_0 : i32, i32
  }
  func.func @transform_5(%arg0: i32) -> (i32, i32) {
    %c0_i32 = arith.constant 0 : i32
    %c0_i32_0 = arith.constant 0 : i32
    return %arg0, %c0_i32 : i32, i32
  }
}

module attributes {stable_mosaic.version = 14 : i64} {
  func.func @_dk(%arg0: i32, %arg1: memref<640x128xf32, #tpu.memory_space<vmem>>, %arg2: memref<640x128xf32, #tpu.memory_space<vmem>>, %arg3: memref<640x128xf32, #tpu.memory_space<vmem>>, %arg4: memref<1x1x640xf32, #tpu.memory_space<vmem>>, %arg5: memref<1x1x640xf32, #tpu.memory_space<vmem>>, %arg6: memref<640x128xf32, #tpu.memory_space<vmem>>) attributes {dimension_semantics = [#tpu.dimension_semantics<arbitrary>], iteration_bounds = array<i64: 16>, scalar_prefetch = 0 : i64, scratch_operands = 0 : i64, tpu.core_type = #tpu.core_type<tc>, window_params = [{transform_indices = @transform_0, window_bounds = array<i64: 640, 128>}, {transform_indices = @transform_1, window_bounds = array<i64: 640, 128>}, {transform_indices = @transform_2, window_bounds = array<i64: 640, 128>}, {transform_indices = @transform_3, window_bounds = array<i64: 1, 1, 640>}, {transform_indices = @transform_4, window_bounds = array<i64: 1, 1, 640>}, {transform_indices = @transform_5, window_bounds = array<i64: 640, 128>}]} {
    %get3A = arith.constant 0 : index
    %get3A_0 = arith.constant 0 : index
    %get3A_1 = arith.constant 0 : index
    %get3A_2 = vector.load %arg4[%get3A, %get3A_0, %get3A_1] : memref<1x1x640xf32, #tpu.memory_space<vmem>>, vector<1x1x640xf32>
    %get3A_3 = arith.constant 0 : index
    %get3A_4 = arith.constant 0 : index
    %get3A_5 = arith.constant 0 : index
    %get3A_6 = vector.load %arg5[%get3A_3, %get3A_4, %get3A_5] : memref<1x1x640xf32, #tpu.memory_space<vmem>>, vector<1x1x640xf32>
    %add3A = arith.addf %get3A_2, %get3A_6 : vector<1x1x640xf32>
    %add3A_7 = arith.constant 1.000000e+00 : f32
    %add3A_8 = vector.broadcast %add3A_7 : f32 to vector<1x1x640xf32>
    %add3A_9 = arith.addf %add3A, %add3A_8 : vector<1x1x640xf32>
    %rsqrt3A = math.rsqrt %add3A_9 : vector<1x1x640xf32>
    %reshape3A = vector.shape_cast %rsqrt3A : vector<1x1x640xf32> to vector<640x1xf32>
    %get3A_10 = arith.constant 0 : index
    %get3A_11 = arith.constant 0 : index
    %get3A_12 = vector.load %arg2[%get3A_10, %get3A_11] : memref<640x128xf32, #tpu.memory_space<vmem>>, vector<640x128xf32>
    %get3A_13 = arith.constant 0 : index
    %get3A_14 = arith.constant 0 : index
    %get3A_15 = vector.load %arg3[%get3A_13, %get3A_14] : memref<640x128xf32, #tpu.memory_space<vmem>>, vector<640x128xf32>
    %add3A_16 = arith.addf %get3A_12, %get3A_15 : vector<640x128xf32>
    %get3A_17 = arith.constant 0 : index
    %get3A_18 = arith.constant 0 : index
    %get3A_19 = vector.load %arg1[%get3A_17, %get3A_18] : memref<640x128xf32, #tpu.memory_space<vmem>>, vector<640x128xf32>
    %add3A_20 = arith.addf %add3A_16, %get3A_19 : vector<640x128xf32>
    %mul3A = vector.broadcast %reshape3A : vector<640x1xf32> to vector<640x128xf32>
    %mul3A_21 = arith.mulf %add3A_20, %mul3A : vector<640x128xf32>
    %swap3A = arith.constant 0 : index
    %swap3A_22 = arith.constant 0 : index
    %swap3A_23 = vector.load %arg6[%swap3A, %swap3A_22] : memref<640x128xf32, #tpu.memory_space<vmem>>, vector<640x128xf32>
    tpu.vector_store %arg6[%swap3A, %swap3A_22], %mul3A_21 {strides = array<i32>} : memref<640x128xf32, #tpu.memory_space<vmem>>, vector<640x128xf32>,
    return
  }
  func.func @transform_0(%arg0: i32) -> (i32, i32) {
    %c0_i32 = arith.constant 0 : i32
    %c0_i32_0 = arith.constant 0 : i32
    return %arg0, %c0_i32 : i32, i32
  }
  func.func @transform_1(%arg0: i32) -> (i32, i32) {
    %c0_i32 = arith.constant 0 : i32
    %c0_i32_0 = arith.constant 0 : i32
    return %arg0, %c0_i32 : i32, i32
  }
  func.func @transform_2(%arg0: i32) -> (i32, i32) {
    %add3A = arith.constant 16 : i32
    %add3A_0 = arith.addi %add3A, %arg0 : i32
    %c0_i32 = arith.constant 0 : i32
    %c0_i32_1 = arith.constant 0 : i32
    return %add3A_0, %c0_i32 : i32, i32
  }
  func.func @transform_3(%arg0: i32) -> (i32, i32, i32) {
    %c0_i32 = arith.constant 0 : i32
    %c0_i32_0 = arith.constant 0 : i32
    %c0_i32_1 = arith.constant 0 : i32
    return %arg0, %c0_i32, %c0_i32_0 : i32, i32, i32
  }
  func.func @transform_4(%arg0: i32) -> (i32, i32, i32) {
    %add3A = arith.constant 16 : i32
    %add3A_0 = arith.addi %add3A, %arg0 : i32
    %c0_i32 = arith.constant 0 : i32
    %c0_i32_1 = arith.constant 0 : i32
    %c0_i32_2 = arith.constant 0 : i32
    return %add3A_0, %c0_i32, %c0_i32_1 : i32, i32, i32
  }
  func.func @transform_5(%arg0: i32) -> (i32, i32) {
    %c0_i32 = arith.constant 0 : i32
    %c0_i32_0 = arith.constant 0 : i32
    return %arg0, %c0_i32 : i32, i32
  }
}

module attributes {stable_mosaic.version = 14 : i64} {
  func.func @_fk(%arg0: i32, %arg1: memref<512x128xf32, #tpu.memory_space<vmem>>, %arg2: memref<512x128xf32, #tpu.memory_space<vmem>>, %arg3: memref<256x128xf32, #tpu.memory_space<vmem>>, %arg4: memref<1x256xf32, #tpu.memory_space<vmem>>, %arg5: memref<128x256xf32, #tpu.memory_space<vmem>>, %arg6: memref<1x128xf32, #tpu.memory_space<vmem>>, %arg7: memref<512x128xf32, #tpu.memory_space<vmem>>) attributes {dimension_semantics = [#tpu.dimension_semantics<arbitrary>], iteration_bounds = array<i64: 4>, scalar_prefetch = 0 : i64, scratch_operands = 0 : i64, tpu.core_type = #tpu.core_type<tc>, window_params = [{transform_indices = @transform_0, window_bounds = array<i64: 512, 128>}, {transform_indices = @transform_1, window_bounds = array<i64: 512, 128>}, {pipeline_mode = #tpu.pipeline_mode<synchronous>, transform_indices = @transform_2, window_bounds = array<i64: 256, 128>}, {pipeline_mode = #tpu.pipeline_mode<synchronous>, transform_indices = @transform_3, window_bounds = array<i64: 1, 256>}, {pipeline_mode = #tpu.pipeline_mode<synchronous>, transform_indices = @transform_4, window_bounds = array<i64: 128, 256>}, {pipeline_mode = #tpu.pipeline_mode<synchronous>, transform_indices = @transform_5, window_bounds = array<i64: 1, 128>}, {transform_indices = @transform_6, window_bounds = array<i64: 512, 128>}]} {
    %get3A = arith.constant 0 : index
    %get3A_0 = arith.constant 0 : index
    %get3A_1 = vector.load %arg1[%get3A, %get3A_0] : memref<512x128xf32, #tpu.memory_space<vmem>>, vector<512x128xf32>
    %get3A_2 = arith.constant 0 : index
    %get3A_3 = arith.constant 0 : index
    %get3A_4 = vector.load %arg2[%get3A_2, %get3A_3] : memref<512x128xf32, #tpu.memory_space<vmem>>, vector<512x128xf32>
    %add3A = arith.addf %get3A_1, %get3A_4 : vector<512x128xf32>
    %get3A_5 = arith.constant 0 : index
    %get3A_6 = arith.constant 0 : index
    %get3A_7 = vector.load %arg3[%get3A_5, %get3A_6] : memref<256x128xf32, #tpu.memory_space<vmem>>, vector<256x128xf32>
    %dot_general3A = arith.constant dense<0.000000e+00> : vector<512x256xf32>
    %dot_general3A_8 = tpu.matmul %add3A, %get3A_7, %dot_general3A {dimension_numbers = #tpu.dot_dimension_numbers<[1], [1], [0], [0], [0, 0, 1, 0], [], []>, transpose_lhs_hint = false} : vector<512x128xf32>, vector<256x128xf32>, vector<512x256xf32> -> vector<512x256xf32>
    %get3A_9 = arith.constant 0 : index
    %get3A_10 = arith.constant 0 : index
    %get3A_11 = vector.load %arg4[%get3A_9, %get3A_10] : memref<1x256xf32, #tpu.memory_space<vmem>>, vector<1x256xf32>
    %add3A_12 = vector.broadcast %get3A_11 : vector<1x256xf32> to vector<512x256xf32>
    %add3A_13 = arith.addf %dot_general3A_8, %add3A_12 : vector<512x256xf32>
    %max3A = arith.constant 0.000000e+00 : f32
    %max3A_14 = vector.broadcast %max3A : f32 to vector<512x256xf32>
    %max3A_15 = arith.maximumf %add3A_13, %max3A_14 : vector<512x256xf32>
    %get3A_16 = arith.constant 0 : index
    %get3A_17 = arith.constant 0 : index
    %get3A_18 = vector.load %arg5[%get3A_16, %get3A_17] : memref<128x256xf32, #tpu.memory_space<vmem>>, vector<128x256xf32>
    %dot_general3A_19 = arith.constant dense<0.000000e+00> : vector<512x128xf32>
    %dot_general3A_20 = tpu.matmul %max3A_15, %get3A_18, %dot_general3A_19 {dimension_numbers = #tpu.dot_dimension_numbers<[1], [1], [0], [0], [0, 0, 1, 0], [], []>, transpose_lhs_hint = false} : vector<512x256xf32>, vector<128x256xf32>, vector<512x128xf32> -> vector<512x128xf32>
    %get3A_21 = arith.constant 0 : index
    %get3A_22 = arith.constant 0 : index
    %get3A_23 = vector.load %arg6[%get3A_21, %get3A_22] : memref<1x128xf32, #tpu.memory_space<vmem>>, vector<1x128xf32>
    %add3A_24 = vector.broadcast %get3A_23 : vector<1x128xf32> to vector<512x128xf32>
    %add3A_25 = arith.addf %dot_general3A_20, %add3A_24 : vector<512x128xf32>
    %swap3A = arith.constant 0 : index
    %swap3A_26 = arith.constant 0 : index
    %swap3A_27 = vector.load %arg7[%swap3A, %swap3A_26] : memref<512x128xf32, #tpu.memory_space<vmem>>, vector<512x128xf32>
    tpu.vector_store %arg7[%swap3A, %swap3A_26], %add3A_25 {strides = array<i32>} : memref<512x128xf32, #tpu.memory_space<vmem>>, vector<512x128xf32>,
    return
  }
  func.func @transform_0(%arg0: i32) -> (i32, i32) {
    %c0_i32 = arith.constant 0 : i32
    %c0_i32_0 = arith.constant 0 : i32
    return %arg0, %c0_i32 : i32, i32
  }
  func.func @transform_1(%arg0: i32) -> (i32, i32) {
    %add3A = arith.constant 4 : i32
    %add3A_0 = arith.addi %add3A, %arg0 : i32
    %c0_i32 = arith.constant 0 : i32
    %c0_i32_1 = arith.constant 0 : i32
    return %add3A_0, %c0_i32 : i32, i32
  }
  func.func @transform_2(%arg0: i32) -> (i32, i32) {
    %c0_i32 = arith.constant 0 : i32
    %c0_i32_0 = arith.constant 0 : i32
    %c0_i32_1 = arith.constant 0 : i32
    return %c0_i32, %c0_i32_0 : i32, i32
  }
  func.func @transform_3(%arg0: i32) -> (i32, i32) {
    %c0_i32 = arith.constant 0 : i32
    %c0_i32_0 = arith.constant 0 : i32
    %c0_i32_1 = arith.constant 0 : i32
    return %c0_i32, %c0_i32_0 : i32, i32
  }
  func.func @transform_4(%arg0: i32) -> (i32, i32) {
    %c0_i32 = arith.constant 0 : i32
    %c0_i32_0 = arith.constant 0 : i32
    %c0_i32_1 = arith.constant 0 : i32
    return %c0_i32, %c0_i32_0 : i32, i32
  }
  func.func @transform_5(%arg0: i32) -> (i32, i32) {
    %c0_i32 = arith.constant 0 : i32
    %c0_i32_0 = arith.constant 0 : i32
    %c0_i32_1 = arith.constant 0 : i32
    return %c0_i32, %c0_i32_0 : i32, i32
  }
  func.func @transform_6(%arg0: i32) -> (i32, i32) {
    %c0_i32 = arith.constant 0 : i32
    %c0_i32_0 = arith.constant 0 : i32
    return %arg0, %c0_i32 : i32, i32
  }
}

</mosaic_0001>

<sc_bundles>
// kernel: kernel.11.cloned.1.call-start
scs
__scs_entry_jumppad:
0x0: {  	(pc) =	sbr.rel $0x88, $3  }
0x1: {  	(tag) =	ssettag $0x0;
	lr =	simm.s32 $0x1  }
0x2: {  	[smem:$0x3F97] =	sst lr;
	_ =	strace $0xD0000000  }
0x3: {  	_ = 	snop  }
0x4: {  	_ = 	snop  }
0x5: {  	_ = 	snop  }
0x6: {  	_ = 	snop  }
0x7: {  	_ = 	snop  }
__scs_overlays_trampoline_lowered:
0x8: {  	[smem:$0x3FA6] =	sst s0  }
0x9: {  	[smem:$0x3FA7] =	sst s1  }
0xa: {  	[smem:$0x3FA8] =	sst s2  }
0xb: {  	[smem:$0x3FA9] =	sst s3  }
0xc: {  	[smem:$0x3FAA] =	sst s4  }
0xd: {  	[smem:$0x3FAB] =	sst s5  }
0xe: {  	[smem:$0x3FAC] =	sst s6  }
0xf: {  	[smem:$0x3FAD] =	sst s7  }
0x10: {  	[smem:$0x3FAE] =	sst s8  }
0x11: {  	[smem:$0x3FAF] =	sst s9;
	s0 =	simm.s32 @!p0 $0x0  }
0x12: {  	s1 =	sld [smem:$0x3F95];
	s0 =	simm.s32 @p0 $0x1  }
0x13: {  	[smem:$0x3FB0] =	sst s0;
	s0 =	simm.s32 @!p1 $0x0  }
0x14: {  	s2 =	sld [smem:$0x3F94];
	s0 =	simm.s32 @p1 $0x1  }
0x15: {  	[smem:$0x3FB1] =	sst s0;
	s0 =	simm.s32 @!p2 $0x0  }
0x16: {  	s3 =	sld [smem:$0x3FDB];
	s0 =	simm.s32 @p2 $0x1  }
0x17: {  	s4 =	simm.s32 $0x1BF5;
	[smem:$0x3FB3] =	sst s0  }
0x18: {  	s0 =	sld [smem:$0x3F96];
	_ =	swait.ge [sflag:s4], $0x0  }
0x19: {  	s7 =	sld [smem:$0x3F97]  }
0x1a: {  	s8 =	sadd.s32 $0xFFFFE003, lr  }
0x1b: {  	s9 =	sadd.s32 $0xFFFFFEF7, lr;
	s5 =	simm.s32 $0xFFFFFFFF;
	p2 =	slt.u32 s8, $0xFFFFF086  }
0x1c: {  	p1 =	slt.u32 s9, $0xF7A;
	s5 =	simm.s32 @!p2 $0x0  }
0x1d: {  	s5 =	simm.s32 @p1 $0x1;
	p0 =	seq.s32 s7, s2  }
0x1e: {  	s7 =	smul.u32 @!p0 $0xF7A, s2;
	p2 =	seq.s32 @!p0 s5, $0x0  }
0x1f: {  	s9 =	smul.u32 $0xF7A, s1;
	s8 =	simm.s32 @!p0 $0x1BF5;
	p2 =	por !p2, p0  }
0x20: {  	[sflag:s8] =	ssyncset.s32 @!p0 $0xFFFFF086;
	s6 =	sadd.s32 @!p0 s3, s7;
	s7 =	simm.s32 @!p0 $0x108  }
0x21: {  	s3 =	sadd.s32 s3, s9;
	s6 =	sadd.s32 @!p0 $0x88, s6;
	s7 =	simm.s32 @p2 $0x1082  }
0x22: {  	[simem:s7], [sflag:s8] =	dma.local @!p0 [hbm:s6], $0xF7A  }
0x23: {  	s9 =	sor.u32 $0xD0000000, s2;
	s6 =	simm.s32 $0x108;
	_ =	swait.ge @!p0 [sflag:s8], $0x0  }
0x24: {  	s3 =	sadd.s32 $0x88, s3;
	s6 =	simm.s32 @!p1 $0x1082;
	[sflag:s4] =	ssyncset.s32 $0xFFFFF086  }
0x25: {  	[simem:s6], [sflag:s4] =	dma.local [hbm:s3], $0xF7A  }
0x26: {  	[smem:$0x3F97] =	sst s1;
	(tag) =	ssettag s2;
	_ =	strace s9  }
0x27: {  	s1 =	sld [smem:$0x3FA7]  }
0x28: {  	s2 =	sld [smem:$0x3FA8]  }
0x29: {  	s4 =	sld [smem:$0x3FAA]  }
0x2a: {  	p0 =	seq.s32 s5, $0x0;
	s5 =	sld [smem:$0x3FAB]  }
0x2b: {  	s6 =	sld [smem:$0x3FAC]  }
0x2c: {  	s7 =	sld [smem:$0x3FAD]  }
0x2d: {  	s3 =	simm.s32 $0x108;
	s8 =	sld [smem:$0x3FAE]  }
0x2e: {  	s3 =	simm.s32 @!p0 $0x1082;
	s9 =	sld [smem:$0x3FAF]  }
0x2f: {  	lr =	sadd.s32 s0, s3;
	s0 =	sld [smem:$0x3FA6]  }
0x30: {  	s3 =	sld [smem:$0x3FA9]  }
0x31: {  	[smem:$0x3FB2] =	sst s10  }
0x32: {  	s10 =	sld [smem:$0x3FB0];
	_ =	sdelay $0x3  }
0x33: {  	p0 =	seq.s32 s10, $0x1;
	s10 =	sld [smem:$0x3FB2];
	_ =	sdelay $0x3  }
0x34: {  	[smem:$0x3FB2] =	sst s10  }
0x35: {  	s10 =	sld [smem:$0x3FB1];
	_ =	sdelay $0x3  }
0x36: {  	p1 =	seq.s32 s10, $0x1;
	s10 =	sld [smem:$0x3FB2];
	_ =	sdelay $0x3  }
0x37: {  	[smem:$0x3FB2] =	sst s10  }
0x38: {  	s10 =	sld [smem:$0x3FB3]  }
0x39: {  	_ = 	snop;
	(pc) =	sbr.ind lr, $3  }
0x3a: {  	_ = 	snop  }
0x3b: {  	_ = 	snop  }
0x3c: {  	p2 =	seq.s32 s10, $0x1;
	s10 =	sld [smem:$0x3FB2]  }
0x3d: {  	_ =	shalt  }
0x3e: {  	_ =	shalt  }
0x3f: {  	_ =	shalt  }
0x40: {  	_ =	shalt  }
0x41: {  	_ =	shalt  }
0x42: {  	_ =	shalt  }
0x43: {  	_ =	shalt  }
0x44: {  	_ =	shalt  }
0x45: {  	_ =	shalt  }
0x46: {  	_ =	shalt  }
0x47: {  	_ =	shalt  }
0x48: {  	_ =	shalt  }
0x49: {  	_ =	shalt  }
0x4a: {  	_ =	shalt  }
0x4b: {  	_ =	shalt  }
0x4c: {  	_ =	shalt  }
0x4d: {  	_ =	shalt  }
0x4e: {  	_ =	shalt  }
0x4f: {  	_ =	shalt  }
0x50: {  	_ =	shalt  }
0x51: {  	_ =	shalt  }
0x52: {  	_ =	shalt  }
0x53: {  	_ =	shalt  }
0x54: {  	_ =	shalt  }
0x55: {  	_ =	shalt  }
0x56: {  	_ =	shalt  }
0x57: {  	_ =	shalt  }
0x58: {  	_ =	shalt  }
0x59: {  	_ =	shalt  }
0x5a: {  	_ =	shalt  }
0x5b: {  	_ =	shalt  }
0x5c: {  	_ =	shalt  }
0x5d: {  	_ =	shalt  }
0x5e: {  	_ =	shalt  }
0x5f: {  	_ =	shalt  }
0x60: {  	_ =	shalt  }
0x61: {  	_ =	shalt  }
0x62: {  	_ =	shalt  }
0x63: {  	_ =	shalt  }
0x64: {  	_ =	shalt  }
0x65: {  	_ =	shalt  }
0x66: {  	_ =	shalt  }
0x67: {  	_ =	shalt  }
0x68: {  	_ =	shalt  }
0x69: {  	_ =	shalt  }
0x6a: {  	_ =	shalt  }
0x6b: {  	_ =	shalt  }
0x6c: {  	_ =	shalt  }
0x6d: {  	_ =	shalt  }
0x6e: {  	_ =	shalt  }
0x6f: {  	_ =	shalt  }
0x70: {  	_ =	shalt  }
0x71: {  	_ =	shalt  }
0x72: {  	_ =	shalt  }
0x73: {  	_ =	shalt  }
0x74: {  	_ =	shalt  }
0x75: {  	_ =	shalt  }
0x76: {  	_ =	shalt  }
0x77: {  	_ =	shalt  }
0x78: {  	_ =	shalt  }
0x79: {  	_ =	shalt  }
0x7a: {  	_ =	shalt  }
0x7b: {  	_ =	shalt  }
0x7c: {  	_ =	shalt  }
0x7d: {  	_ =	shalt  }
0x7e: {  	_ =	shalt  }
0x7f: {  	_ =	shalt  }
0x80: {  	_ =	shalt  }
0x81: {  	_ =	shalt  }
0x82: {  	_ =	shalt  }
0x83: {  	_ =	shalt  }
0x84: {  	_ =	shalt  }
0x85: {  	_ =	shalt  }
0x86: {  	_ =	shalt  }
0x87: {  	_ =	shalt  }
.Lfunc_end0:
.L_simem_size_0:
called_computation.1_lowered:
.L_overlay_start_0:
0x88: {  	s2 =	sld [smem:$0x3FD9]  }
0x89: {  	s3 =	sld [smem:$0x3FFE];
	_ =	sdelay $0x1  }
0x8a: {  	s1 =	srdreg.scid  }
0x8b: {  	s0 =	sand.u32 $0x1, s1  }
0x8c: {  	s14 =	sshll.u32 s0, $0xA;
	s2 =	sadd.s32 s3, s2  }
0x8d: {  	s2 =	sadd.s32 s2, s14  }
0x8e: {  	[smem:$0x3FBE] =	sst s2  }
0x8f: {  	_ = 	snop  }
0x90: {  	s2 =	sld [smem:$0x3FD0];
	_ =	sdelay $0x2  }
0x91: {  	s15 =	simm.s32 $0xA;
	s4 =	simm.s32 $0x10  }
0x92: {  	[smem:s4], [sflag:s15] =	dma.local [hbm:s2], $0x1  }
0x93: {  	_ =	swait.eq [sflag:s15], $0x1  }
0x94: {  	[sflag:s15] =	ssyncset.done $0x0  }
0x95: {  	s16 =	sld [smem:$0x10];
	[sflag:s15] =	ssyncadd.s32 $0xFFFFFFFF  }
0x96: {  	s17 =	sld [smem:$0x11];
	(tm) =	ssettm $0x1  }
0x97: {  	s18 =	sld [smem:$0x3FFB];
	_ =	sdelay $0x3  }
0x98: {  	_ =	strace s18  }
0x99: {  	s4 =	sld [smem:$0x3FFC];
	_ =	sdelay $0x3  }
0x9a: {  	_ =	strace s4  }
0x9b: {  	s4 =	sld [smem:$0x3FFD];
	_ =	sdelay $0x3  }
0x9c: {  	_ =	strace s4  }
0x9d: {  	_ =	strace $0x8FFFFFFF  }
0x9e: {  	s19 =	sld [smem:$0x3FDB];
	_ =	sdelay $0x1  }
0x9f: {  	s5 =	simm.s32 $_scs_section_size  }
0xa0: {  	s6 =	simm.s32 $_size__tile_overlayer_lowered;
	s7 =	simm.s32 $_tile_overlayer_lowered  }
0xa1: {  	s22 =	simm.s32 $0x1BFF;
	s21 =	sshll.u32 s7, $0x1;
	s4 =	sadd.s32 s5, s19  }
0xa2: {  	s8 =	simm.s32 $0x0;
	s20 =	sshll.u32 s6, $0x1;
	s6 =	sadd.s32 s21, s4  }
0xa3: {  	[timem:s8], [sflag:s22] =	dma.local [hbm:s6], s20  }
0xa4: {  	_ =	swait.ge [sflag:s22], s20  }
0xa5: {  	s5 =	ssub.s32 $0x0, s20;
	[sflag:s22] =	ssyncset.done $0x0  }
0xa6: {  	[sflag:s22] =	ssyncadd.s32 s5;
	_ =	sdelay $0x1  }
0xa7: {  	s23 =	simm.s32 $0x1B8B  }
0xa8: {  	_ =	swait.ge [sflag:s23], $0x1  }
0xa9: {  	[sflag:s23] =	ssyncset.done $0x0  }
0xaa: {  	s25 =	simm.s32 $0x1B8E;
	s24 =	sld [smem:$0x3FFE];
	[sflag:s23] =	ssyncadd.s32 $0xFFFFFFFF  }
0xab: {  	s26 =	simm.s32 $execute0_lowered;
	[smem:$0x3FD2] =	sst s25  }
0xac: {  	s6 =	sshll.u32 s26, $0x1;
	_ =	strace $0x80000049;
	[dreg:$0x1] =	wrdreg $0xFFFFFFFF  }
0xad: {  	s28 =	simm.s32 $_size_execute0_lowered;
	s4 =	sadd.s32 s4, s6;
	[dreg:$0x0] =	wrdreg $0x0  }
0xae: {  	s6 =	sshll.u32 s28, $0x1;
	[dreg:$0x2] =	wrdreg s4  }
0xaf: {  	[dreg:$0x3] =	wrdreg s6  }
0xb0: {  	[dreg:$0x4] =	wrdreg $0xC0  }
0xb1: {  	_ =	task [dreg:s8], $0x5FFFF  }
0xb2: {  	[dreg:$0x1] =	wrdreg $0xFFFFFFFF  }
0xb3: {  	[dreg:$0x0] =	wrdreg $0x60  }
0xb4: {  	[dreg:$0x2] =	wrdreg s24  }
0xb5: {  	[dreg:$0x3] =	wrdreg s16  }
0xb6: {  	[dreg:$0x4] =	wrdreg s17  }
0xb7: {  	[dreg:$0x5] =	wrdreg $0x0  }
0xb8: {  	[dreg:$0x6] =	wrdreg $0x9  }
0xb9: {  	_ =	task.clear_ibuf [dreg:s8], $0x7FFFF;
	_ =	strace $0x90000049  }
0xba: {  	s29 =	simm.s32 $0x9;
	_ =	strace $0x8000004B  }
0xbb: {  	_ =	swait.ge [sflag:s29], $0x1  }
0xbc: {  	[sflag:s29] =	ssyncadd.s32 $0xFFFFFFFF  }
0xbd: {  	_ =	strace $0x9000004B  }
0xbe: {  	_ =	sfence  }
0xbf: {  	s30 =	sld [smem:$0x0];
	_ =	sdelay $0x2  }
0xc0: {  	s31 =	sshll.u32 s1, $0xD;
	s1 =	sshrl.u32 s1, $0x2  }
0xc1: {  	s3 =	sand.u32 $0x4000, s31;
	s1 =	sadd.s32 s1, s30  }
0xc2: {  	s0 =	sor.u32 s3, s0;
	s1 =	sshll.u32 s1, $0x11  }
0xc3: {  	s0 =	sor.u32 s1, s0  }
0xc4: {  	s0 =	sadd.s32 $0x8F2B, s0  }
0xc5: {  	[sflag:s0] =	ssyncadd.remote.s32 $0x1  }
0xc6: {  	_ =	sfence.sel $0xFFFF  }
0xc7: {  	[dreg:$0x0] =	wrdreg $0xFFFFFFFF;
	(pc) =	sbr.abs _section_cstart, $3  }
0xc8: {  	[dreg:$0x1] =	wrdreg $0xFFFFFFFF  }
0xc9: {  	_ =	task.clear_ibuf [dreg:s8], $0x2FFFF;
	_ =	strace $0x9FFFFFFF  }
0xca: {  	(tm) =	ssettm $0x7FFFFFFF  }
0xcb: {  	_ =	shalt  }
tec
execute0_lowered:
.L_overlay_start_1:
0x0: {  	(tag) =	ssettag $0x1  }
0x1: {  	s6 =	rddreg [dreg:$0x0]  }
0x2: {  	s7 =	rddreg [dreg:$0x1]  }
0x3: {  	s1 =	srdreg.scid;
	s2 =	rddreg [dreg:$0x2]  }
0x4: {  	s0 =	stileid.u32;
	s3 =	rddreg [dreg:$0x3]  }
0x5: {  	s4 =	simm.s32 $0x0;
	s14 =	simm.s32 $0x16800;
	s15 =	simm.s32 $0x80  }
0x6: {  	s16 =	simm.s32 $0x19000;
	s17 =	simm.s32 $0x0;
	s8 =	sand.u32 $0x1, s1  }
0x7: {  	s26 =	sshll.u32 s0, $0x1;
	s10 =	smul.u32 $0x2800, s0;
	[smem:$0x7FF] =	sst s4  }
0x8: {  	s5 =	sadd.s32 $0xCA00, s6;
	s12 =	smul.u32 $0x50000, s0;
	s31 =	sshll.u32 s0, $0x6  }
0x9: {  	s1 =	sor.u32 s8, s26;
	s11 =	smul.u32 $0x28000, s8;
	s8 =	ssub.s32 $0x2, s8  }
0xa: {  	s9 =	smul.u32 $0x500, s1;
	s1 =	rddreg [dreg:$0x4];
	_ =	strace $0x8000004A  }
0xb: {  	s28 =	sshrl.u32 s8, $0x1;
	s29 =	sshrl.u32 s12, $0x2;
	s12 =	simm.s32 $0x1  }
0xc: {  	s10 =	sadd.s32 s10, s11;
	s30 =	ssub.s32 s8, s28;
	s11 =	sadd.s32 s29, s3  }
0xd: {  	s13 =	sadd.s32 s9, s6;
	s10 =	sadd.s32 s10, s6;
	s6 =	sor.u32 $0x1C01, s31  }
0xe: {  	s7 =	sadd.s32 s7, s9;
	s11 =	sshrl.u32 s11, $0x3;
	s8 =	sadd.s32 $0x2A00, s13  }
0xf: {  	s9 =	sadd.s32 $0x34A00, s10;
	s10 =	smax.u32 s30, $0x1;
	s13 =	simm.s32 $0x14000  }
.LBB2_1:
0x10: {  	[spmem:s11], [sflag:s6] =	dma.local [hbm:s2], $0x2800  }
0x11: {  	_ =	swait.ge [sflag:s12], $0x2800  }
0x12: {  	[sflag:s12] =	ssyncset.done $0x0  }
0x13: {  	[sflag:s12] =	ssyncadd.s32 $0xFFFFD800  }
0x14: {  	[tilespmem:s13], [sflag:$0x1] =	stream.linear.gather [hbm4b:s7+s4], $0x2780, $0x38;
	[tilespmem:$0x1D000] =	vst v63  }
0x15: {  	_ =	swait.ge [sflag:s12], $0x2780  }
0x16: {  	[sflag:s12] =	ssyncset.done $0x0  }
0x17: {  	[sflag:s12] =	ssyncadd.s32 $0xFFFFD880  }
0x18: {  	[tilespmem:s14], [sflag:$0x1] =	stream.linear.gather [hbm4b:s8+s4], $0x2780, $0x38;
	[tilespmem:$0x1D000] =	vst v63  }
0x19: {  	_ =	swait.ge [sflag:s12], $0x2780  }
0x1a: {  	[sflag:s12] =	ssyncset.done $0x0  }
0x1b: {  	[sflag:s12] =	ssyncadd.s32 $0xFFFFD880  }
0x1c: {  	s18 =	simm.s32 $0x14000;
	[bflag:$0x0] =	sbarrier.arrive $0xFFFF  }
0x1d: {  	[tilespmem:s16], [sflag:$0x1] =	stream.indirect.gather [hbm4b:s5+s15], $0x80, s18, s15, $0xb8;
	[tilespmem:$0x1D000] =	vst v63  }
0x1e: {  	_ =	swait.ge [sflag:s12], $0x4000  }
0x1f: {  	[sflag:s12] =	ssyncset.done $0x0  }
0x20: {  	s31 =	simm.s32 $0x16800;
	[sflag:s12] =	ssyncadd.s32 $0xFFFFC000  }
0x21: {  	[spmem:s3] =	stream.indirect.scatter.add.f32 [tilespmem:s16], [sflag:$0x1], $0x80, s31, s15, $0xb8;
	[tilespmem:$0x1D000] =	vst v63  }
0x22: {  	_ =	swait.ge [sflag:s12], $0x4000  }
0x23: {  	s19 =	simm.s32 $0x400;
	s18 =	simm.s32 $0x80;
	[sflag:s12] =	ssyncset.done $0x0  }
.LBB2_2:
0x24: {  	s20 =	sadd.s32 $0x14000, s18  }
0x25: {  	[sflag:s12] =	ssyncadd.s32 $0xFFFFC000;
	s21 =	smov.u32 s19;
	s22 =	sadd.s32 $0x200, s19  }
0x26: {  	[tilespmem:s16], [sflag:$0x1] =	stream.indirect.gather [hbm4b:s5+s15], $0x80, s20, s15, $0xb8;
	[tilespmem:$0x1D000] =	vst v63  }
0x27: {  	p0 =	sne.s32 s19, $0x9C00;
	_ =	swait.ge [sflag:s12], $0x4000  }
.Ltmp0:
0x28: {  	[sflag:s12] =	ssyncset.done $0x0;
	(pc) =	sbr.rel @p0 .LBB2_2-.Ltmp0, $4  }
0x29: {  	s18 =	sadd.s32 $0x16800, s18;
	[sflag:s12] =	ssyncadd.s32 $0xFFFFC000  }
0x2a: {  	[spmem:s3] =	stream.indirect.scatter.add.f32 [tilespmem:s16], [sflag:$0x1], $0x80, s18, s15, $0xb8;
	[tilespmem:$0x1D000] =	vst v63  }
0x2b: {  	_ =	swait.ge [sflag:s12], $0x4000  }
0x2c: {  	s19 =	smov.u32 s22;
	s18 =	sshra.s32 s21, $0x2;
	[sflag:s12] =	ssyncset.done $0x0  }
0x2d: {  	s19 =	sadd.s32 $0x14000, s18;
	[sflag:s12] =	ssyncadd.s32 $0xFFFFC000  }
0x2e: {  	[tilespmem:s16], [sflag:$0x1] =	stream.indirect.gather [hbm4b:s5+s15], $0x80, s19, s15, $0xb8;
	[tilespmem:$0x1D000] =	vst v63  }
0x2f: {  	_ =	swait.ge [sflag:s12], $0x4000  }
0x30: {  	[sflag:s12] =	ssyncset.done $0x0  }
0x31: {  	s31 =	sadd.s32 $0x16800, s18;
	[sflag:s12] =	ssyncadd.s32 $0xFFFFC000  }
0x32: {  	[spmem:s3] =	stream.indirect.scatter.add.f32 [tilespmem:s16], [sflag:$0x1], $0x80, s31, s15, $0xb8;
	[tilespmem:$0x1D000] =	vst v63  }
0x33: {  	_ =	swait.ge [sflag:s12], $0x4000  }
0x34: {  	s17 =	sadd.s32 $0x1, s17;
	[sflag:s12] =	ssyncset.done $0x0  }
0x35: {  	p0 =	sne.s32 s17, s10;
	[sflag:s12] =	ssyncadd.s32 $0xFFFFC000  }
.Ltmp1:
0x36: {  	[bflag:$0x0] =	sbarrier.arrive $0xFFFF;
	(pc) =	sbr.rel @p0 .LBB2_1-.Ltmp1, $4  }
0x37: {  	[hbm:s9], [sflag:s6] =	dma.local [spmem:s11], $0x2800  }
0x38: {  	_ =	swait.ge [sflag:s12], $0x2800  }
0x39: {  	[sflag:s12] =	ssyncset.done $0x0  }
0x3a: {  	[sflag:s12] =	ssyncadd.s32 $0xFFFFD800  }
0x3b: {  	_ =	sfence.sel $0x180000  }
0x3c: {  	[bflag:$0x0] =	sbarrier.arrive $0xFFFF  }
0x3d: {  	p0 =	sne.s32 s0, $0x0;
	_ =	strace $0x9000004A  }
0x3e: {  	s0 =	sadd.s32 @!p0 $0x100000, s1;
	[bflag:$0x2] =	sbarrier.arrive $0xFFFF  }
0x3f: {  	[sflag:s0] =	ssyncadd.tile.s32 @!p0 $0x1;
	_ =	shalt  }
.Lfunc_end2:
_tile_overlayer_lowered:
.L_overlay_start_2:
0x40: {  	(tag) =	ssettag $0x2  }
0x41: {  	s0 =	rddreg [dreg:$0x0];
	s2 =	stileid.u32  }
0x42: {  	s1 =	rddreg [dreg:$0x1];
	p0 =	sne.s32 s2, $0x0  }
0x43: {  	s3 =	rddreg [dreg:$0x2];
	[bflag:$0x3] =	sbarrier.arrive $0xFFFF;
	s2 =	simm.s32 @!p0 $0x1C01  }
0x44: {  	[timem:s3], [sflag:s2] =	dma.local @!p0 [hbm:s0], s1  }
0x45: {  	s0 =	simm.s32 @!p0 $0x1  }
0x46: {  	_ =	swait.ge @!p0 [sflag:s0], s1  }
0x47: {  	s1 =	ssub.s32 @!p0 $0x0, s1;
	[sflag:s0] =	ssyncset.done @!p0 $0x0  }
0x48: {  	[sflag:s0] =	ssyncadd.s32 @!p0 s1  }
0x49: {  	[bflag:$0x3] =	sbarrier.arrive $0xFFFF  }
0x4a: {  	_ =	shalt  }

// kernel: kernel.14.cloned.1.call-start
scs
__scs_entry_jumppad:
0x0: {  	(pc) =	sbr.rel $0x88, $3  }
0x1: {  	(tag) =	ssettag $0x0;
	lr =	simm.s32 $0x1  }
0x2: {  	[smem:$0x3F97] =	sst lr;
	_ =	strace $0xD0000000  }
0x3: {  	_ = 	snop  }
0x4: {  	_ = 	snop  }
0x5: {  	_ = 	snop  }
0x6: {  	_ = 	snop  }
0x7: {  	_ = 	snop  }
__scs_overlays_trampoline_lowered:
0x8: {  	[smem:$0x3FA6] =	sst s0  }
0x9: {  	[smem:$0x3FA7] =	sst s1  }
0xa: {  	[smem:$0x3FA8] =	sst s2  }
0xb: {  	[smem:$0x3FA9] =	sst s3  }
0xc: {  	[smem:$0x3FAA] =	sst s4  }
0xd: {  	[smem:$0x3FAB] =	sst s5  }
0xe: {  	[smem:$0x3FAC] =	sst s6  }
0xf: {  	[smem:$0x3FAD] =	sst s7  }
0x10: {  	[smem:$0x3FAE] =	sst s8  }
0x11: {  	[smem:$0x3FAF] =	sst s9;
	s0 =	simm.s32 @!p0 $0x0  }
0x12: {  	s1 =	sld [smem:$0x3F95];
	s0 =	simm.s32 @p0 $0x1  }
0x13: {  	[smem:$0x3FB0] =	sst s0;
	s0 =	simm.s32 @!p1 $0x0  }
0x14: {  	s2 =	sld [smem:$0x3F94];
	s0 =	simm.s32 @p1 $0x1  }
0x15: {  	[smem:$0x3FB1] =	sst s0;
	s0 =	simm.s32 @!p2 $0x0  }
0x16: {  	s3 =	sld [smem:$0x3FDB];
	s0 =	simm.s32 @p2 $0x1  }
0x17: {  	s4 =	simm.s32 $0x1BF5;
	[smem:$0x3FB3] =	sst s0  }
0x18: {  	s0 =	sld [smem:$0x3F96];
	_ =	swait.ge [sflag:s4], $0x0  }
0x19: {  	s7 =	sld [smem:$0x3F97]  }
0x1a: {  	s8 =	sadd.s32 $0xFFFFE003, lr  }
0x1b: {  	s9 =	sadd.s32 $0xFFFFFEF7, lr;
	s5 =	simm.s32 $0xFFFFFFFF;
	p2 =	slt.u32 s8, $0xFFFFF086  }
0x1c: {  	p1 =	slt.u32 s9, $0xF7A;
	s5 =	simm.s32 @!p2 $0x0  }
0x1d: {  	s5 =	simm.s32 @p1 $0x1;
	p0 =	seq.s32 s7, s2  }
0x1e: {  	s7 =	smul.u32 @!p0 $0xF7A, s2;
	p2 =	seq.s32 @!p0 s5, $0x0  }
0x1f: {  	s9 =	smul.u32 $0xF7A, s1;
	s8 =	simm.s32 @!p0 $0x1BF5;
	p2 =	por !p2, p0  }
0x20: {  	[sflag:s8] =	ssyncset.s32 @!p0 $0xFFFFF086;
	s6 =	sadd.s32 @!p0 s3, s7;
	s7 =	simm.s32 @!p0 $0x108  }
0x21: {  	s3 =	sadd.s32 s3, s9;
	s6 =	sadd.s32 @!p0 $0x88, s6;
	s7 =	simm.s32 @p2 $0x1082  }
0x22: {  	[simem:s7], [sflag:s8] =	dma.local @!p0 [hbm:s6], $0xF7A  }
0x23: {  	s9 =	sor.u32 $0xD0000000, s2;
	s6 =	simm.s32 $0x108;
	_ =	swait.ge @!p0 [sflag:s8], $0x0  }
0x24: {  	s3 =	sadd.s32 $0x88, s3;
	s6 =	simm.s32 @!p1 $0x1082;
	[sflag:s4] =	ssyncset.s32 $0xFFFFF086  }
0x25: {  	[simem:s6], [sflag:s4] =	dma.local [hbm:s3], $0xF7A  }
0x26: {  	[smem:$0x3F97] =	sst s1;
	(tag) =	ssettag s2;
	_ =	strace s9  }
0x27: {  	s1 =	sld [smem:$0x3FA7]  }
0x28: {  	s2 =	sld [smem:$0x3FA8]  }
0x29: {  	s4 =	sld [smem:$0x3FAA]  }
0x2a: {  	p0 =	seq.s32 s5, $0x0;
	s5 =	sld [smem:$0x3FAB]  }
0x2b: {  	s6 =	sld [smem:$0x3FAC]  }
0x2c: {  	s7 =	sld [smem:$0x3FAD]  }
0x2d: {  	s3 =	simm.s32 $0x108;
	s8 =	sld [smem:$0x3FAE]  }
0x2e: {  	s3 =	simm.s32 @!p0 $0x1082;
	s9 =	sld [smem:$0x3FAF]  }
0x2f: {  	lr =	sadd.s32 s0, s3;
	s0 =	sld [smem:$0x3FA6]  }
0x30: {  	s3 =	sld [smem:$0x3FA9]  }
0x31: {  	[smem:$0x3FB2] =	sst s10  }
0x32: {  	s10 =	sld [smem:$0x3FB0];
	_ =	sdelay $0x3  }
0x33: {  	p0 =	seq.s32 s10, $0x1;
	s10 =	sld [smem:$0x3FB2];
	_ =	sdelay $0x3  }
0x34: {  	[smem:$0x3FB2] =	sst s10  }
0x35: {  	s10 =	sld [smem:$0x3FB1];
	_ =	sdelay $0x3  }
0x36: {  	p1 =	seq.s32 s10, $0x1;
	s10 =	sld [smem:$0x3FB2];
	_ =	sdelay $0x3  }
0x37: {  	[smem:$0x3FB2] =	sst s10  }
0x38: {  	s10 =	sld [smem:$0x3FB3]  }
0x39: {  	_ = 	snop;
	(pc) =	sbr.ind lr, $3  }
0x3a: {  	_ = 	snop  }
0x3b: {  	_ = 	snop  }
0x3c: {  	p2 =	seq.s32 s10, $0x1;
	s10 =	sld [smem:$0x3FB2]  }
0x3d: {  	_ =	shalt  }
0x3e: {  	_ =	shalt  }
0x3f: {  	_ =	shalt  }
0x40: {  	_ =	shalt  }
0x41: {  	_ =	shalt  }
0x42: {  	_ =	shalt  }
0x43: {  	_ =	shalt  }
0x44: {  	_ =	shalt  }
0x45: {  	_ =	shalt  }
0x46: {  	_ =	shalt  }
0x47: {  	_ =	shalt  }
0x48: {  	_ =	shalt  }
0x49: {  	_ =	shalt  }
0x4a: {  	_ =	shalt  }
0x4b: {  	_ =	shalt  }
0x4c: {  	_ =	shalt  }
0x4d: {  	_ =	shalt  }
0x4e: {  	_ =	shalt  }
0x4f: {  	_ =	shalt  }
0x50: {  	_ =	shalt  }
0x51: {  	_ =	shalt  }
0x52: {  	_ =	shalt  }
0x53: {  	_ =	shalt  }
0x54: {  	_ =	shalt  }
0x55: {  	_ =	shalt  }
0x56: {  	_ =	shalt  }
0x57: {  	_ =	shalt  }
0x58: {  	_ =	shalt  }
0x59: {  	_ =	shalt  }
0x5a: {  	_ =	shalt  }
0x5b: {  	_ =	shalt  }
0x5c: {  	_ =	shalt  }
0x5d: {  	_ =	shalt  }
0x5e: {  	_ =	shalt  }
0x5f: {  	_ =	shalt  }
0x60: {  	_ =	shalt  }
0x61: {  	_ =	shalt  }
0x62: {  	_ =	shalt  }
0x63: {  	_ =	shalt  }
0x64: {  	_ =	shalt  }
0x65: {  	_ =	shalt  }
0x66: {  	_ =	shalt  }
0x67: {  	_ =	shalt  }
0x68: {  	_ =	shalt  }
0x69: {  	_ =	shalt  }
0x6a: {  	_ =	shalt  }
0x6b: {  	_ =	shalt  }
0x6c: {  	_ =	shalt  }
0x6d: {  	_ =	shalt  }
0x6e: {  	_ =	shalt  }
0x6f: {  	_ =	shalt  }
0x70: {  	_ =	shalt  }
0x71: {  	_ =	shalt  }
0x72: {  	_ =	shalt  }
0x73: {  	_ =	shalt  }
0x74: {  	_ =	shalt  }
0x75: {  	_ =	shalt  }
0x76: {  	_ =	shalt  }
0x77: {  	_ =	shalt  }
0x78: {  	_ =	shalt  }
0x79: {  	_ =	shalt  }
0x7a: {  	_ =	shalt  }
0x7b: {  	_ =	shalt  }
0x7c: {  	_ =	shalt  }
0x7d: {  	_ =	shalt  }
0x7e: {  	_ =	shalt  }
0x7f: {  	_ =	shalt  }
0x80: {  	_ =	shalt  }
0x81: {  	_ =	shalt  }
0x82: {  	_ =	shalt  }
0x83: {  	_ =	shalt  }
0x84: {  	_ =	shalt  }
0x85: {  	_ =	shalt  }
0x86: {  	_ =	shalt  }
0x87: {  	_ =	shalt  }
.Lfunc_end0:
.L_simem_size_0:
called_computation.2_lowered:
.L_overlay_start_0:
0x88: {  	s2 =	sld [smem:$0x3FD9]  }
0x89: {  	s3 =	sld [smem:$0x3FFE];
	_ =	sdelay $0x1  }
0x8a: {  	s1 =	srdreg.scid  }
0x8b: {  	s0 =	sand.u32 $0x1, s1  }
0x8c: {  	s14 =	sshll.u32 s0, $0xA;
	s2 =	sadd.s32 s3, s2  }
0x8d: {  	s2 =	sadd.s32 s2, s14  }
0x8e: {  	[smem:$0x3FBE] =	sst s2  }
0x8f: {  	_ = 	snop  }
0x90: {  	s2 =	sld [smem:$0x3FD0];
	_ =	sdelay $0x2  }
0x91: {  	s15 =	simm.s32 $0xA;
	s4 =	simm.s32 $0x10  }
0x92: {  	[smem:s4], [sflag:s15] =	dma.local [hbm:s2], $0x1  }
0x93: {  	_ =	swait.eq [sflag:s15], $0x1  }
0x94: {  	[sflag:s15] =	ssyncset.done $0x0  }
0x95: {  	[sflag:s15] =	ssyncadd.s32 $0xFFFFFFFF  }
0x96: {  	s16 =	sld [smem:$0x11];
	(tm) =	ssettm $0x1  }
0x97: {  	s17 =	sld [smem:$0x3FFB];
	_ =	sdelay $0x3  }
0x98: {  	_ =	strace s17  }
0x99: {  	s3 =	sld [smem:$0x3FFC];
	_ =	sdelay $0x3  }
0x9a: {  	_ =	strace s3  }
0x9b: {  	s3 =	sld [smem:$0x3FFD];
	_ =	sdelay $0x3  }
0x9c: {  	_ =	strace s3  }
0x9d: {  	_ =	strace $0x8FFFFFFF  }
0x9e: {  	s18 =	sld [smem:$0x3FDB];
	_ =	sdelay $0x1  }
0x9f: {  	s19 =	simm.s32 $_scs_section_size  }
0xa0: {  	s5 =	simm.s32 $_size__tile_overlayer_lowered;
	s6 =	simm.s32 $_tile_overlayer_lowered  }
0xa1: {  	s22 =	simm.s32 $0x1BFF;
	s21 =	sshll.u32 s6, $0x1;
	s3 =	sadd.s32 s19, s18  }
0xa2: {  	s7 =	simm.s32 $0x0;
	s20 =	sshll.u32 s5, $0x1;
	s5 =	sadd.s32 s21, s3  }
0xa3: {  	[timem:s7], [sflag:s22] =	dma.local [hbm:s5], s20  }
0xa4: {  	_ =	swait.ge [sflag:s22], s20  }
0xa5: {  	s4 =	ssub.s32 $0x0, s20;
	[sflag:s22] =	ssyncset.done $0x0  }
0xa6: {  	[sflag:s22] =	ssyncadd.s32 s4;
	_ =	sdelay $0x1  }
0xa7: {  	s23 =	simm.s32 $0x1B8B  }
0xa8: {  	_ =	swait.ge [sflag:s23], $0x1  }
0xa9: {  	[sflag:s23] =	ssyncset.done $0x0  }
0xaa: {  	s25 =	simm.s32 $0x1B8E;
	s24 =	sld [smem:$0x3FFE];
	[sflag:s23] =	ssyncadd.s32 $0xFFFFFFFF  }
0xab: {  	s26 =	simm.s32 $execute0_lowered;
	[smem:$0x3FD2] =	sst s25  }
0xac: {  	s5 =	sshll.u32 s26, $0x1;
	_ =	strace $0x8000004C;
	[dreg:$0x1] =	wrdreg $0xFFFFFFFF  }
0xad: {  	s28 =	simm.s32 $_size_execute0_lowered;
	s3 =	sadd.s32 s3, s5;
	[dreg:$0x0] =	wrdreg $0x0  }
0xae: {  	s5 =	sshll.u32 s28, $0x1;
	[dreg:$0x2] =	wrdreg s3  }
0xaf: {  	[dreg:$0x3] =	wrdreg s5  }
0xb0: {  	[dreg:$0x4] =	wrdreg $0xC0  }
0xb1: {  	_ =	task [dreg:s7], $0x5FFFF  }
0xb2: {  	[dreg:$0x1] =	wrdreg $0xFFFFFFFF  }
0xb3: {  	[dreg:$0x0] =	wrdreg $0x60  }
0xb4: {  	[dreg:$0x2] =	wrdreg s24  }
0xb5: {  	[dreg:$0x3] =	wrdreg s16  }
0xb6: {  	[dreg:$0x4] =	wrdreg $0x0  }
0xb7: {  	[dreg:$0x5] =	wrdreg $0x40000  }
0xb8: {  	[dreg:$0x6] =	wrdreg $0x9  }
0xb9: {  	_ =	task.clear_ibuf [dreg:s7], $0x7FFFF;
	_ =	strace $0x9000004C  }
0xba: {  	s29 =	simm.s32 $0x9;
	_ =	strace $0x8000004E  }
0xbb: {  	_ =	swait.ge [sflag:s29], $0x1  }
0xbc: {  	[sflag:s29] =	ssyncadd.s32 $0xFFFFFFFF  }
0xbd: {  	_ =	strace $0x9000004E  }
0xbe: {  	_ =	sfence  }
0xbf: {  	s30 =	sld [smem:$0x0];
	_ =	sdelay $0x2  }
0xc0: {  	s31 =	sshll.u32 s1, $0xD;
	s1 =	sshrl.u32 s1, $0x2  }
0xc1: {  	s3 =	sand.u32 $0x4000, s31;
	s1 =	sadd.s32 s1, s30  }
0xc2: {  	s0 =	sor.u32 s3, s0;
	s1 =	sshll.u32 s1, $0x11  }
0xc3: {  	s0 =	sor.u32 s1, s0  }
0xc4: {  	s0 =	sadd.s32 $0x8F2B, s0  }
0xc5: {  	[sflag:s0] =	ssyncadd.remote.s32 $0x1  }
0xc6: {  	_ =	sfence.sel $0xFFFF  }
0xc7: {  	[dreg:$0x0] =	wrdreg $0xFFFFFFFF;
	(pc) =	sbr.abs _section_cstart, $3  }
0xc8: {  	[dreg:$0x1] =	wrdreg $0xFFFFFFFF  }
0xc9: {  	_ =	task.clear_ibuf [dreg:s7], $0x2FFFF;
	_ =	strace $0x9FFFFFFF  }
0xca: {  	(tm) =	ssettm $0x7FFFFFFF  }
0xcb: {  	_ =	shalt  }
tec
execute0_lowered:
.L_overlay_start_1:
0x0: {  	(tag) =	ssettag $0x1  }
0x1: {  	s9 =	rddreg [dreg:$0x0]  }
0x2: {  	s1 =	rddreg [dreg:$0x1]  }
0x3: {  	s3 =	rddreg [dreg:$0x2]  }
0x4: {  	s4 =	rddreg [dreg:$0x3];
	s2 =	srdreg.scid  }
0x5: {  	s5 =	simm.s32 $0x0;
	s0 =	stileid.u32;
	s31 =	sand.u32 $0x1, s2  }
0x6: {  	[smem:$0x7FF] =	sst s5;
	s16 =	sshll.u32 s0, $0x7;
	s10 =	smul.u32 $0x14000, s0  }
0x7: {  	s7 =	sadd.s32 $0x2600, s9;
	s2 =	sshll.u32 s0, $0xE;
	s11 =	smul.u32 $0x2800, s0  }
0x8: {  	s21 =	sshll.u32 s0, $0x6;
	s6 =	sshll.u32 s31, $0x6;
	s8 =	sadd.s32 s16, s9  }
0x9: {  	_ =	strace $0x8000004D;
	s6 =	sor.u32 s6, s16;
	s8 =	sadd.s32 $0x85A00, s8  }
0xa: {  	s20 =	sadd.s32 s7, s11;
	s6 =	sadd.s32 s6, s9;
	[dreg:$0x5] =	wrdreg s8  }
0xb: {  	s19 =	sshrl.u32 s10, $0x3;
	[dreg:$0x8] =	wrdreg s20;
	s18 =	sadd.s32 $0x84A00, s6  }
0xc: {  	s23 =	sadd.s32 s7, s19;
	s6 =	sadd.s32 $0x85200, s6;
	[dreg:$0x6] =	wrdreg s18  }
0xd: {  	s17 =	sadd.s32 s2, s3;
	s8 =	sadd.s32 $0x800, s23;
	[dreg:$0x7] =	wrdreg s6  }
0xe: {  	s7 =	simm.s32 $0x5;
	s22 =	sadd.s32 $0x1000, s23;
	[dreg:$0x9] =	wrdreg s8  }
0xf: {  	s6 =	sor.u32 $0x1C05, s21;
	[dreg:$0xa] =	wrdreg s22;
	s8 =	sshrl.u32 s17, $0x3  }
0x10: {  	[spmem:s8], [sflag:s6] =	dma.local [hbm:s1], $0x800  }
0x11: {  	_ =	swait.ge [sflag:s7], $0x800  }
0x12: {  	s24 =	sadd.s32 s2, s4;
	[sflag:s7] =	ssyncset.done $0x0  }
0x13: {  	s9 =	sshrl.u32 s24, $0x3;
	[sflag:s7] =	ssyncadd.s32 $0xFFFFF800  }
0x14: {  	[spmem:s9], [sflag:s6] =	dma.local [hbm:s1], $0x800  }
0x15: {  	_ =	swait.ge [sflag:s7], $0x800  }
0x16: {  	[sflag:s7] =	ssyncset.done $0x0  }
0x17: {  	s10 =	simm.s32 $0x8000;
	s25 =	rddreg [dreg:$0x5];
	[sflag:s7] =	ssyncadd.s32 $0xFFFFF800  }
0x18: {  	[tilespmem:s10], [sflag:$0x5] =	stream.linear.gather [hbm4b:s25+s5], $0x280, $0x38;
	[tilespmem:$0x10800] =	vst v63  }
0x19: {  	_ =	swait.ge [sflag:s7], $0x280  }
0x1a: {  	[sflag:s7] =	ssyncset.done $0x0  }
0x1b: {  	s11 =	simm.s32 $0x8400;
	s12 =	rddreg [dreg:$0x6];
	[sflag:s7] =	ssyncadd.s32 $0xFFFFFD80  }
0x1c: {  	[tilespmem:s11], [sflag:$0x5] =	stream.linear.gather [hbm4b:s12+s5], $0x180, $0x38;
	[tilespmem:$0x10800] =	vst v63  }
0x1d: {  	_ =	swait.ge [sflag:s7], $0x180  }
0x1e: {  	[sflag:s7] =	ssyncset.done $0x0  }
0x1f: {  	s12 =	simm.s32 $0x8600;
	s13 =	rddreg [dreg:$0x7];
	[sflag:s7] =	ssyncadd.s32 $0xFFFFFE80  }
0x20: {  	[tilespmem:s12], [sflag:$0x5] =	stream.linear.gather [hbm4b:s13+s5], $0x180, $0x38;
	[tilespmem:$0x10800] =	vst v63  }
0x21: {  	_ =	swait.ge [sflag:s7], $0x180  }
0x22: {  	[sflag:s7] =	ssyncset.done $0x0  }
0x23: {  	[sflag:s7] =	ssyncadd.s32 $0xFFFFFE80  }
0x24: {  	[bflag:$0x0] =	sbarrier.arrive $0xFFFF  }
0x25: {  	s13 =	simm.s32 $0x8800;
	s14 =	rddreg [dreg:$0x8]  }
0x26: {  	[tilespmem:s13], [sflag:$0x1] =	stream.linear.gather [hbm4b:s14+s5], $0x4000, $0x38;
	[tilespmem:$0x10800] =	vst v63  }
0x27: {  	s15 =	simm.s32 $0x1;
	s16 =	rddreg [dreg:$0x9];
	s14 =	simm.s32 $0xC800  }
0x28: {  	[tilespmem:s14], [sflag:$0x2] =	stream.linear.gather [hbm4b:s16+s5], $0x4000, $0x38;
	[tilespmem:$0x10800] =	vst v63  }
0x29: {  	_ =	swait.ge [sflag:s15], $0x4000  }
0x2a: {  	[sflag:s15] =	ssyncset.done $0x0  }
0x2b: {  	s17 =	simm.s32 $0x3;
	s16 =	simm.s32 $0x80;
	[sflag:s15] =	ssyncadd.s32 $0xFFFFC000  }
0x2c: {  	[spmem:s3] =	stream.indirect.scatter.add.f32 [tilespmem:s13], [sflag:$0x3], $0x80, s10, s16, $0xb8;
	[tilespmem:$0x10800] =	vst v63  }
0x2d: {  	_ =	swait.ge [sflag:s17], $0x4000  }
0x2e: {  	[sflag:s17] =	ssyncset.done $0x0  }
0x2f: {  	s18 =	simm.s32 $0x2;
	s19 =	rddreg [dreg:$0xa];
	[sflag:s17] =	ssyncadd.s32 $0xFFFFC000  }
0x30: {  	[tilespmem:s13], [sflag:$0x1] =	stream.linear.gather [hbm4b:s19+s5], $0x4000, $0x38;
	[tilespmem:$0x10800] =	vst v63  }
0x31: {  	_ =	swait.ge [sflag:s18], $0x4000  }
0x32: {  	[sflag:s18] =	ssyncset.done $0x0  }
0x33: {  	s26 =	simm.s32 $0x8080;
	s20 =	simm.s32 $0x4;
	[sflag:s18] =	ssyncadd.s32 $0xFFFFC000  }
0x34: {  	[spmem:s3] =	stream.indirect.scatter.add.f32 [tilespmem:s14], [sflag:$0x4], $0x80, s26, s16, $0xb8;
	[tilespmem:$0x10800] =	vst v63  }
0x35: {  	_ =	swait.ge [sflag:s20], $0x4000  }
0x36: {  	[sflag:s20] =	ssyncset.done $0x0  }
0x37: {  	s21 =	sadd.s32 $0x1800, s23;
	[sflag:s20] =	ssyncadd.s32 $0xFFFFC000  }
0x38: {  	[tilespmem:s14], [sflag:$0x2] =	stream.linear.gather [hbm4b:s21+s5], $0x4000, $0x38;
	[tilespmem:$0x10800] =	vst v63  }
0x39: {  	_ =	swait.ge [sflag:s15], $0x4000  }
0x3a: {  	[sflag:s15] =	ssyncset.done $0x0  }
0x3b: {  	s22 =	simm.s32 $0x8100;
	[sflag:s15] =	ssyncadd.s32 $0xFFFFC000  }
0x3c: {  	[spmem:s3] =	stream.indirect.scatter.add.f32 [tilespmem:s13], [sflag:$0x3], $0x80, s22, s16, $0xb8;
	[tilespmem:$0x10800] =	vst v63  }
0x3d: {  	_ =	swait.ge [sflag:s17], $0x4000  }
0x3e: {  	[sflag:s17] =	ssyncset.done $0x0  }
0x3f: {  	s23 =	sadd.s32 $0x2000, s23;
	[sflag:s17] =	ssyncadd.s32 $0xFFFFC000  }
0x40: {  	[tilespmem:s13], [sflag:$0x1] =	stream.linear.gather [hbm4b:s23+s5], $0x4000, $0x38;
	[tilespmem:$0x10800] =	vst v63  }
0x41: {  	_ =	swait.ge [sflag:s18], $0x4000  }
0x42: {  	[sflag:s18] =	ssyncset.done $0x0  }
0x43: {  	s24 =	simm.s32 $0x8180;
	[sflag:s18] =	ssyncadd.s32 $0xFFFFC000  }
0x44: {  	[spmem:s3] =	stream.indirect.scatter.add.f32 [tilespmem:s14], [sflag:$0x4], $0x80, s24, s16, $0xb8;
	[tilespmem:$0x10800] =	vst v63  }
0x45: {  	_ =	swait.ge [sflag:s20], $0x4000  }
0x46: {  	[sflag:s20] =	ssyncset.done $0x0  }
0x47: {  	[sflag:s20] =	ssyncadd.s32 $0xFFFFC000  }
0x48: {  	_ =	swait.ge [sflag:s15], $0x4000  }
0x49: {  	[sflag:s15] =	ssyncset.done $0x0  }
0x4a: {  	s25 =	simm.s32 $0x8200;
	[sflag:s15] =	ssyncadd.s32 $0xFFFFC000  }
0x4b: {  	[spmem:s3] =	stream.indirect.scatter.add.f32 [tilespmem:s13], [sflag:$0x3], $0x80, s25, s16, $0xb8;
	[tilespmem:$0x10800] =	vst v63  }
0x4c: {  	_ =	swait.ge [sflag:s17], $0x4000  }
0x4d: {  	[sflag:s17] =	ssyncset.done $0x0  }
0x4e: {  	[sflag:s17] =	ssyncadd.s32 $0xFFFFC000  }
0x4f: {  	[bflag:$0x0] =	sbarrier.arrive $0xFFFF  }
0x50: {  	[tilespmem:s13], [sflag:$0x1] =	stream.indirect.gather [spmem:s3], $0x80, s11, s16, $0xb8;
	[tilespmem:$0x10800] =	vst v63  }
0x51: {  	s26 =	simm.s32 $0x8480  }
0x52: {  	[tilespmem:s14], [sflag:$0x2] =	stream.indirect.gather [spmem:s3], $0x80, s26, s16, $0xb8;
	[tilespmem:$0x10800] =	vst v63  }
0x53: {  	_ =	swait.ge [sflag:s15], $0x4000  }
0x54: {  	[sflag:s15] =	ssyncset.done $0x0  }
0x55: {  	[sflag:s15] =	ssyncadd.s32 $0xFFFFC000  }
0x56: {  	[spmem:s4] =	stream.indirect.scatter.add.f32 [tilespmem:s13], [sflag:$0x3], $0x80, s12, s16, $0xb8;
	[tilespmem:$0x10800] =	vst v63  }
0x57: {  	_ =	swait.ge [sflag:s17], $0x4000  }
0x58: {  	[sflag:s17] =	ssyncset.done $0x0  }
0x59: {  	s28 =	simm.s32 $0x8500;
	[sflag:s17] =	ssyncadd.s32 $0xFFFFC000  }
0x5a: {  	[tilespmem:s13], [sflag:$0x1] =	stream.indirect.gather [spmem:s3], $0x80, s28, s16, $0xb8;
	[tilespmem:$0x10800] =	vst v63  }
0x5b: {  	_ =	swait.ge [sflag:s18], $0x4000  }
0x5c: {  	[sflag:s18] =	ssyncset.done $0x0  }
0x5d: {  	s29 =	simm.s32 $0x8680;
	[sflag:s18] =	ssyncadd.s32 $0xFFFFC000  }
0x5e: {  	[spmem:s4] =	stream.indirect.scatter.add.f32 [tilespmem:s14], [sflag:$0x4], $0x80, s29, s16, $0xb8;
	[tilespmem:$0x10800] =	vst v63  }
0x5f: {  	_ =	swait.ge [sflag:s20], $0x4000  }
0x60: {  	[sflag:s20] =	ssyncset.done $0x0  }
0x61: {  	[sflag:s20] =	ssyncadd.s32 $0xFFFFC000  }
0x62: {  	_ =	swait.ge [sflag:s15], $0x4000  }
0x63: {  	[sflag:s15] =	ssyncset.done $0x0  }
0x64: {  	s30 =	simm.s32 $0x8700;
	s19 =	sshll.u32 s31, $0x12;
	[sflag:s15] =	ssyncadd.s32 $0xFFFFC000  }
0x65: {  	[spmem:s4] =	stream.indirect.scatter.add.f32 [tilespmem:s13], [sflag:$0x3], $0x80, s30, s16, $0xb8;
	[tilespmem:$0x10800] =	vst v63  }
0x66: {  	s0 =	sor.u32 s2, s19;
	s2 =	ssub.s32 $0x2, s31;
	_ =	swait.ge [sflag:s17], $0x4000  }
0x67: {  	s31 =	sshrl.u32 s2, $0x1;
	[sflag:s17] =	ssyncset.done $0x0  }
0x68: {  	s0 =	sshrl.u32 s0, $0x3;
	s2 =	ssub.s32 s2, s31;
	s19 =	rddreg [dreg:$0x0]  }
0x69: {  	s0 =	sadd.s32 s0, s19;
	s19 =	smax.u32 s2, $0x1  }
0x6a: {  	p0 =	sne.s32 s19, $0x1  }
.Ltmp0:
0x6b: {  	[sflag:s17] =	ssyncadd.s32 $0xFFFFC000;
	(pc) =	sbr.rel @!p0 .LBB2_2-.Ltmp0, $4  }
0x6c: {  	[bflag:$0x0] =	sbarrier.arrive $0xFFFF;
	s31 =	sadd.s32 $0x2A600, s0  }
0x6d: {  	[hbm:s31], [sflag:s6] =	dma.local [spmem:s9], $0x800  }
0x6e: {  	_ =	swait.ge [sflag:s7], $0x800  }
0x6f: {  	s0 =	sadd.s32 $0xFFFFFFFF, s19;
	[sflag:s7] =	ssyncset.done $0x0  }
.LBB2_1:
0x70: {  	[sflag:s7] =	ssyncadd.s32 $0xFFFFF800  }
0x71: {  	[spmem:s8], [sflag:s6] =	dma.local [hbm:s1], $0x800  }
0x72: {  	_ =	swait.ge [sflag:s7], $0x800  }
0x73: {  	[sflag:s7] =	ssyncset.done $0x0  }
0x74: {  	[sflag:s7] =	ssyncadd.s32 $0xFFFFF800  }
0x75: {  	[spmem:s9], [sflag:s6] =	dma.local [hbm:s1], $0x800  }
0x76: {  	_ =	swait.ge [sflag:s7], $0x800  }
0x77: {  	[sflag:s7] =	ssyncset.done $0x0  }
0x78: {  	s2 =	rddreg [dreg:$0x5];
	[sflag:s7] =	ssyncadd.s32 $0xFFFFF800  }
0x79: {  	[tilespmem:s10], [sflag:$0x5] =	stream.linear.gather [hbm4b:s2+s5], $0x280, $0x38;
	[tilespmem:$0x10800] =	vst v63  }
0x7a: {  	_ =	swait.ge [sflag:s7], $0x280  }
0x7b: {  	[sflag:s7] =	ssyncset.done $0x0  }
0x7c: {  	s19 =	rddreg [dreg:$0x6];
	[sflag:s7] =	ssyncadd.s32 $0xFFFFFD80  }
0x7d: {  	[tilespmem:s11], [sflag:$0x5] =	stream.linear.gather [hbm4b:s19+s5], $0x180, $0x38;
	[tilespmem:$0x10800] =	vst v63  }
0x7e: {  	_ =	swait.ge [sflag:s7], $0x180  }
0x7f: {  	[sflag:s7] =	ssyncset.done $0x0  }
0x80: {  	s19 =	rddreg [dreg:$0x7];
	[sflag:s7] =	ssyncadd.s32 $0xFFFFFE80  }
0x81: {  	[tilespmem:s12], [sflag:$0x5] =	stream.linear.gather [hbm4b:s19+s5], $0x180, $0x38;
	[tilespmem:$0x10800] =	vst v63  }
0x82: {  	_ =	swait.ge [sflag:s7], $0x180  }
0x83: {  	[sflag:s7] =	ssyncset.done $0x0  }
0x84: {  	[sflag:s7] =	ssyncadd.s32 $0xFFFFFE80  }
0x85: {  	[bflag:$0x0] =	sbarrier.arrive $0xFFFF  }
0x86: {  	s2 =	rddreg [dreg:$0x8]  }
0x87: {  	[tilespmem:s13], [sflag:$0x1] =	stream.linear.gather [hbm4b:s2+s5], $0x4000, $0x38;
	[tilespmem:$0x10800] =	vst v63  }
0x88: {  	s19 =	rddreg [dreg:$0x9]  }
0x89: {  	[tilespmem:s14], [sflag:$0x2] =	stream.linear.gather [hbm4b:s19+s5], $0x4000, $0x38;
	[tilespmem:$0x10800] =	vst v63  }
0x8a: {  	_ =	swait.ge [sflag:s15], $0x4000  }
0x8b: {  	[sflag:s15] =	ssyncset.done $0x0  }
0x8c: {  	[sflag:s15] =	ssyncadd.s32 $0xFFFFC000  }
0x8d: {  	[spmem:s3] =	stream.indirect.scatter.add.f32 [tilespmem:s13], [sflag:$0x3], $0x80, s10, s16, $0xb8;
	[tilespmem:$0x10800] =	vst v63  }
0x8e: {  	_ =	swait.ge [sflag:s17], $0x4000  }
0x8f: {  	[sflag:s17] =	ssyncset.done $0x0  }
0x90: {  	s19 =	rddreg [dreg:$0xa];
	[sflag:s17] =	ssyncadd.s32 $0xFFFFC000  }
0x91: {  	[tilespmem:s13], [sflag:$0x1] =	stream.linear.gather [hbm4b:s19+s5], $0x4000, $0x38;
	[tilespmem:$0x10800] =	vst v63  }
0x92: {  	_ =	swait.ge [sflag:s18], $0x4000  }
0x93: {  	[sflag:s18] =	ssyncset.done $0x0  }
0x94: {  	s19 =	simm.s32 $0x8080;
	[sflag:s18] =	ssyncadd.s32 $0xFFFFC000  }
0x95: {  	[spmem:s3] =	stream.indirect.scatter.add.f32 [tilespmem:s14], [sflag:$0x4], $0x80, s19, s16, $0xb8;
	[tilespmem:$0x10800] =	vst v63  }
0x96: {  	_ =	swait.ge [sflag:s20], $0x4000  }
0x97: {  	[sflag:s20] =	ssyncset.done $0x0  }
0x98: {  	[sflag:s20] =	ssyncadd.s32 $0xFFFFC000  }
0x99: {  	[tilespmem:s14], [sflag:$0x2] =	stream.linear.gather [hbm4b:s21+s5], $0x4000, $0x38;
	[tilespmem:$0x10800] =	vst v63  }
0x9a: {  	_ =	swait.ge [sflag:s15], $0x4000  }
0x9b: {  	[sflag:s15] =	ssyncset.done $0x0  }
0x9c: {  	[sflag:s15] =	ssyncadd.s32 $0xFFFFC000  }
0x9d: {  	[spmem:s3] =	stream.indirect.scatter.add.f32 [tilespmem:s13], [sflag:$0x3], $0x80, s22, s16, $0xb8;
	[tilespmem:$0x10800] =	vst v63  }
0x9e: {  	_ =	swait.ge [sflag:s17], $0x4000  }
0x9f: {  	[sflag:s17] =	ssyncset.done $0x0  }
0xa0: {  	[sflag:s17] =	ssyncadd.s32 $0xFFFFC000  }
0xa1: {  	[tilespmem:s13], [sflag:$0x1] =	stream.linear.gather [hbm4b:s23+s5], $0x4000, $0x38;
	[tilespmem:$0x10800] =	vst v63  }
0xa2: {  	_ =	swait.ge [sflag:s18], $0x4000  }
0xa3: {  	[sflag:s18] =	ssyncset.done $0x0  }
0xa4: {  	[sflag:s18] =	ssyncadd.s32 $0xFFFFC000  }
0xa5: {  	[spmem:s3] =	stream.indirect.scatter.add.f32 [tilespmem:s14], [sflag:$0x4], $0x80, s24, s16, $0xb8;
	[tilespmem:$0x10800] =	vst v63  }
0xa6: {  	_ =	swait.ge [sflag:s20], $0x4000  }
0xa7: {  	[sflag:s20] =	ssyncset.done $0x0  }
0xa8: {  	[sflag:s20] =	ssyncadd.s32 $0xFFFFC000  }
0xa9: {  	_ =	swait.ge [sflag:s15], $0x4000  }
0xaa: {  	[sflag:s15] =	ssyncset.done $0x0  }
0xab: {  	[sflag:s15] =	ssyncadd.s32 $0xFFFFC000  }
0xac: {  	[spmem:s3] =	stream.indirect.scatter.add.f32 [tilespmem:s13], [sflag:$0x3], $0x80, s25, s16, $0xb8;
	[tilespmem:$0x10800] =	vst v63  }
0xad: {  	_ =	swait.ge [sflag:s17], $0x4000  }
0xae: {  	[sflag:s17] =	ssyncset.done $0x0  }
0xaf: {  	[sflag:s17] =	ssyncadd.s32 $0xFFFFC000  }
0xb0: {  	[bflag:$0x0] =	sbarrier.arrive $0xFFFF  }
0xb1: {  	[tilespmem:s13], [sflag:$0x1] =	stream.indirect.gather [spmem:s3], $0x80, s11, s16, $0xb8;
	[tilespmem:$0x10800] =	vst v63  }
0xb2: {  	_ = 	snop  }
0xb3: {  	[tilespmem:s14], [sflag:$0x2] =	stream.indirect.gather [spmem:s3], $0x80, s26, s16, $0xb8;
	[tilespmem:$0x10800] =	vst v63  }
0xb4: {  	_ =	swait.ge [sflag:s15], $0x4000  }
0xb5: {  	[sflag:s15] =	ssyncset.done $0x0  }
0xb6: {  	[sflag:s15] =	ssyncadd.s32 $0xFFFFC000  }
0xb7: {  	[spmem:s4] =	stream.indirect.scatter.add.f32 [tilespmem:s13], [sflag:$0x3], $0x80, s12, s16, $0xb8;
	[tilespmem:$0x10800] =	vst v63  }
0xb8: {  	_ =	swait.ge [sflag:s17], $0x4000  }
0xb9: {  	[sflag:s17] =	ssyncset.done $0x0  }
0xba: {  	[sflag:s17] =	ssyncadd.s32 $0xFFFFC000  }
0xbb: {  	[tilespmem:s13], [sflag:$0x1] =	stream.indirect.gather [spmem:s3], $0x80, s28, s16, $0xb8;
	[tilespmem:$0x10800] =	vst v63  }
0xbc: {  	_ =	swait.ge [sflag:s18], $0x4000  }
0xbd: {  	[sflag:s18] =	ssyncset.done $0x0  }
0xbe: {  	[sflag:s18] =	ssyncadd.s32 $0xFFFFC000  }
0xbf: {  	[spmem:s4] =	stream.indirect.scatter.add.f32 [tilespmem:s14], [sflag:$0x4], $0x80, s29, s16, $0xb8;
	[tilespmem:$0x10800] =	vst v63  }
0xc0: {  	_ =	swait.ge [sflag:s20], $0x4000  }
0xc1: {  	[sflag:s20] =	ssyncset.done $0x0  }
0xc2: {  	[sflag:s20] =	ssyncadd.s32 $0xFFFFC000  }
0xc3: {  	_ =	swait.ge [sflag:s15], $0x4000  }
0xc4: {  	[sflag:s15] =	ssyncset.done $0x0  }
0xc5: {  	[sflag:s15] =	ssyncadd.s32 $0xFFFFC000  }
0xc6: {  	[spmem:s4] =	stream.indirect.scatter.add.f32 [tilespmem:s13], [sflag:$0x3], $0x80, s30, s16, $0xb8;
	[tilespmem:$0x10800] =	vst v63  }
0xc7: {  	_ =	swait.ge [sflag:s17], $0x4000  }
0xc8: {  	p0 =	sne.s32 s0, $0x1;
	[sflag:s17] =	ssyncset.done $0x0  }
.Ltmp1:
0xc9: {  	[sflag:s17] =	ssyncadd.s32 $0xFFFFC000;
	(pc) =	sbr.rel @p0 .LBB2_1-.Ltmp1, $4  }
0xca: {  	[bflag:$0x0] =	sbarrier.arrive $0xFFFF  }
0xcb: {  	[hbm:s31], [sflag:s6] =	dma.local [spmem:s9], $0x800  }
0xcc: {  	_ =	swait.ge [sflag:s7], $0x800  }
0xcd: {  	s0 =	sadd.s32 $0xFFFFFFFF, s0;
	[sflag:s7] =	ssyncset.done $0x0  }
.LBB2_2:
0xce: {  	[sflag:s7] =	ssyncadd.s32 $0xFFFFF800  }
0xcf: {  	_ =	sfence.sel $0x180000  }
0xd0: {  	[bflag:$0x0] =	sbarrier.arrive $0xFFFF  }
0xd1: {  	_ =	strace $0x9000004D  }
0xd2: {  	s0 =	stileid.u32;
	[bflag:$0x2] =	sbarrier.arrive $0xFFFF  }
0xd3: {  	p0 =	sne.s32 s0, $0x0;
	s0 =	rddreg [dreg:$0x4]  }
0xd4: {  	s0 =	sadd.s32 @!p0 $0x100000, s0  }
0xd5: {  	[sflag:s0] =	ssyncadd.tile.s32 @!p0 $0x1;
	_ =	shalt  }
.Lfunc_end2:
_tile_overlayer_lowered:
.L_overlay_start_2:
0xd6: {  	(tag) =	ssettag $0x2  }
0xd7: {  	s0 =	rddreg [dreg:$0x0];
	s2 =	stileid.u32  }
0xd8: {  	s1 =	rddreg [dreg:$0x1];
	p0 =	sne.s32 s2, $0x0  }
0xd9: {  	s3 =	rddreg [dreg:$0x2];
	[bflag:$0x3] =	sbarrier.arrive $0xFFFF;
	s2 =	simm.s32 @!p0 $0x1C05  }
0xda: {  	[timem:s3], [sflag:s2] =	dma.local @!p0 [hbm:s0], s1  }
0xdb: {  	s0 =	simm.s32 @!p0 $0x5  }
0xdc: {  	_ =	swait.ge @!p0 [sflag:s0], s1  }
0xdd: {  	s1 =	ssub.s32 @!p0 $0x0, s1;
	[sflag:s0] =	ssyncset.done @!p0 $0x0  }
0xde: {  	[sflag:s0] =	ssyncadd.s32 @!p0 s1  }
0xdf: {  	[bflag:$0x3] =	sbarrier.arrive $0xFFFF  }
0xe0: {  	_ =	shalt  }

// kernel: kernel.8.cloned.1.call-start
scs
__scs_entry_jumppad:
0x0: {  	(pc) =	sbr.rel $0x88, $3  }
0x1: {  	(tag) =	ssettag $0x0;
	lr =	simm.s32 $0x1  }
0x2: {  	[smem:$0x3F97] =	sst lr;
	_ =	strace $0xD0000000  }
0x3: {  	_ = 	snop  }
0x4: {  	_ = 	snop  }
0x5: {  	_ = 	snop  }
0x6: {  	_ = 	snop  }
0x7: {  	_ = 	snop  }
__scs_overlays_trampoline_lowered:
0x8: {  	[smem:$0x3FA6] =	sst s0  }
0x9: {  	[smem:$0x3FA7] =	sst s1  }
0xa: {  	[smem:$0x3FA8] =	sst s2  }
0xb: {  	[smem:$0x3FA9] =	sst s3  }
0xc: {  	[smem:$0x3FAA] =	sst s4  }
0xd: {  	[smem:$0x3FAB] =	sst s5  }
0xe: {  	[smem:$0x3FAC] =	sst s6  }
0xf: {  	[smem:$0x3FAD] =	sst s7  }
0x10: {  	[smem:$0x3FAE] =	sst s8  }
0x11: {  	[smem:$0x3FAF] =	sst s9;
	s0 =	simm.s32 @!p0 $0x0  }
0x12: {  	s1 =	sld [smem:$0x3F95];
	s0 =	simm.s32 @p0 $0x1  }
0x13: {  	[smem:$0x3FB0] =	sst s0;
	s0 =	simm.s32 @!p1 $0x0  }
0x14: {  	s2 =	sld [smem:$0x3F94];
	s0 =	simm.s32 @p1 $0x1  }
0x15: {  	[smem:$0x3FB1] =	sst s0;
	s0 =	simm.s32 @!p2 $0x0  }
0x16: {  	s3 =	sld [smem:$0x3FDB];
	s0 =	simm.s32 @p2 $0x1  }
0x17: {  	s4 =	simm.s32 $0x1BF5;
	[smem:$0x3FB3] =	sst s0  }
0x18: {  	s0 =	sld [smem:$0x3F96];
	_ =	swait.ge [sflag:s4], $0x0  }
0x19: {  	s7 =	sld [smem:$0x3F97]  }
0x1a: {  	s8 =	sadd.s32 $0xFFFFE003, lr  }
0x1b: {  	s9 =	sadd.s32 $0xFFFFFEF7, lr;
	s5 =	simm.s32 $0xFFFFFFFF;
	p2 =	slt.u32 s8, $0xFFFFF086  }
0x1c: {  	p1 =	slt.u32 s9, $0xF7A;
	s5 =	simm.s32 @!p2 $0x0  }
0x1d: {  	s5 =	simm.s32 @p1 $0x1;
	p0 =	seq.s32 s7, s2  }
0x1e: {  	s7 =	smul.u32 @!p0 $0xF7A, s2;
	p2 =	seq.s32 @!p0 s5, $0x0  }
0x1f: {  	s9 =	smul.u32 $0xF7A, s1;
	s8 =	simm.s32 @!p0 $0x1BF5;
	p2 =	por !p2, p0  }
0x20: {  	[sflag:s8] =	ssyncset.s32 @!p0 $0xFFFFF086;
	s6 =	sadd.s32 @!p0 s3, s7;
	s7 =	simm.s32 @!p0 $0x108  }
0x21: {  	s3 =	sadd.s32 s3, s9;
	s6 =	sadd.s32 @!p0 $0x88, s6;
	s7 =	simm.s32 @p2 $0x1082  }
0x22: {  	[simem:s7], [sflag:s8] =	dma.local @!p0 [hbm:s6], $0xF7A  }
0x23: {  	s9 =	sor.u32 $0xD0000000, s2;
	s6 =	simm.s32 $0x108;
	_ =	swait.ge @!p0 [sflag:s8], $0x0  }
0x24: {  	s3 =	sadd.s32 $0x88, s3;
	s6 =	simm.s32 @!p1 $0x1082;
	[sflag:s4] =	ssyncset.s32 $0xFFFFF086  }
0x25: {  	[simem:s6], [sflag:s4] =	dma.local [hbm:s3], $0xF7A  }
0x26: {  	[smem:$0x3F97] =	sst s1;
	(tag) =	ssettag s2;
	_ =	strace s9  }
0x27: {  	s1 =	sld [smem:$0x3FA7]  }
0x28: {  	s2 =	sld [smem:$0x3FA8]  }
0x29: {  	s4 =	sld [smem:$0x3FAA]  }
0x2a: {  	p0 =	seq.s32 s5, $0x0;
	s5 =	sld [smem:$0x3FAB]  }
0x2b: {  	s6 =	sld [smem:$0x3FAC]  }
0x2c: {  	s7 =	sld [smem:$0x3FAD]  }
0x2d: {  	s3 =	simm.s32 $0x108;
	s8 =	sld [smem:$0x3FAE]  }
0x2e: {  	s3 =	simm.s32 @!p0 $0x1082;
	s9 =	sld [smem:$0x3FAF]  }
0x2f: {  	lr =	sadd.s32 s0, s3;
	s0 =	sld [smem:$0x3FA6]  }
0x30: {  	s3 =	sld [smem:$0x3FA9]  }
0x31: {  	[smem:$0x3FB2] =	sst s10  }
0x32: {  	s10 =	sld [smem:$0x3FB0];
	_ =	sdelay $0x3  }
0x33: {  	p0 =	seq.s32 s10, $0x1;
	s10 =	sld [smem:$0x3FB2];
	_ =	sdelay $0x3  }
0x34: {  	[smem:$0x3FB2] =	sst s10  }
0x35: {  	s10 =	sld [smem:$0x3FB1];
	_ =	sdelay $0x3  }
0x36: {  	p1 =	seq.s32 s10, $0x1;
	s10 =	sld [smem:$0x3FB2];
	_ =	sdelay $0x3  }
0x37: {  	[smem:$0x3FB2] =	sst s10  }
0x38: {  	s10 =	sld [smem:$0x3FB3]  }
0x39: {  	_ = 	snop;
	(pc) =	sbr.ind lr, $3  }
0x3a: {  	_ = 	snop  }
0x3b: {  	_ = 	snop  }
0x3c: {  	p2 =	seq.s32 s10, $0x1;
	s10 =	sld [smem:$0x3FB2]  }
0x3d: {  	_ =	shalt  }
0x3e: {  	_ =	shalt  }
0x3f: {  	_ =	shalt  }
0x40: {  	_ =	shalt  }
0x41: {  	_ =	shalt  }
0x42: {  	_ =	shalt  }
0x43: {  	_ =	shalt  }
0x44: {  	_ =	shalt  }
0x45: {  	_ =	shalt  }
0x46: {  	_ =	shalt  }
0x47: {  	_ =	shalt  }
0x48: {  	_ =	shalt  }
0x49: {  	_ =	shalt  }
0x4a: {  	_ =	shalt  }
0x4b: {  	_ =	shalt  }
0x4c: {  	_ =	shalt  }
0x4d: {  	_ =	shalt  }
0x4e: {  	_ =	shalt  }
0x4f: {  	_ =	shalt  }
0x50: {  	_ =	shalt  }
0x51: {  	_ =	shalt  }
0x52: {  	_ =	shalt  }
0x53: {  	_ =	shalt  }
0x54: {  	_ =	shalt  }
0x55: {  	_ =	shalt  }
0x56: {  	_ =	shalt  }
0x57: {  	_ =	shalt  }
0x58: {  	_ =	shalt  }
0x59: {  	_ =	shalt  }
0x5a: {  	_ =	shalt  }
0x5b: {  	_ =	shalt  }
0x5c: {  	_ =	shalt  }
0x5d: {  	_ =	shalt  }
0x5e: {  	_ =	shalt  }
0x5f: {  	_ =	shalt  }
0x60: {  	_ =	shalt  }
0x61: {  	_ =	shalt  }
0x62: {  	_ =	shalt  }
0x63: {  	_ =	shalt  }
0x64: {  	_ =	shalt  }
0x65: {  	_ =	shalt  }
0x66: {  	_ =	shalt  }
0x67: {  	_ =	shalt  }
0x68: {  	_ =	shalt  }
0x69: {  	_ =	shalt  }
0x6a: {  	_ =	shalt  }
0x6b: {  	_ =	shalt  }
0x6c: {  	_ =	shalt  }
0x6d: {  	_ =	shalt  }
0x6e: {  	_ =	shalt  }
0x6f: {  	_ =	shalt  }
0x70: {  	_ =	shalt  }
0x71: {  	_ =	shalt  }
0x72: {  	_ =	shalt  }
0x73: {  	_ =	shalt  }
0x74: {  	_ =	shalt  }
0x75: {  	_ =	shalt  }
0x76: {  	_ =	shalt  }
0x77: {  	_ =	shalt  }
0x78: {  	_ =	shalt  }
0x79: {  	_ =	shalt  }
0x7a: {  	_ =	shalt  }
0x7b: {  	_ =	shalt  }
0x7c: {  	_ =	shalt  }
0x7d: {  	_ =	shalt  }
0x7e: {  	_ =	shalt  }
0x7f: {  	_ =	shalt  }
0x80: {  	_ =	shalt  }
0x81: {  	_ =	shalt  }
0x82: {  	_ =	shalt  }
0x83: {  	_ =	shalt  }
0x84: {  	_ =	shalt  }
0x85: {  	_ =	shalt  }
0x86: {  	_ =	shalt  }
0x87: {  	_ =	shalt  }
.Lfunc_end0:
.L_simem_size_0:
called_computation_lowered:
.L_overlay_start_0:
0x88: {  	s2 =	sld [smem:$0x3FD9]  }
0x89: {  	s3 =	sld [smem:$0x3FFE];
	_ =	sdelay $0x1  }
0x8a: {  	s1 =	srdreg.scid  }
0x8b: {  	s0 =	sand.u32 $0x1, s1  }
0x8c: {  	s14 =	sshll.u32 s0, $0xA;
	s2 =	sadd.s32 s3, s2  }
0x8d: {  	s2 =	sadd.s32 s2, s14  }
0x8e: {  	[smem:$0x3FBE] =	sst s2  }
0x8f: {  	_ = 	snop  }
0x90: {  	s2 =	sld [smem:$0x3FD0];
	_ =	sdelay $0x2  }
0x91: {  	s15 =	simm.s32 $0xA;
	s4 =	simm.s32 $0x10  }
0x92: {  	[smem:s4], [sflag:s15] =	dma.local [hbm:s2], $0x1  }
0x93: {  	_ =	swait.eq [sflag:s15], $0x1  }
0x94: {  	[sflag:s15] =	ssyncset.done $0x0  }
0x95: {  	s16 =	sld [smem:$0x10];
	[sflag:s15] =	ssyncadd.s32 $0xFFFFFFFF  }
0x96: {  	s17 =	sld [smem:$0x11];
	(tm) =	ssettm $0x1  }
0x97: {  	s18 =	sld [smem:$0x3FFB];
	_ =	sdelay $0x3  }
0x98: {  	_ =	strace s18  }
0x99: {  	s4 =	sld [smem:$0x3FFC];
	_ =	sdelay $0x3  }
0x9a: {  	_ =	strace s4  }
0x9b: {  	s4 =	sld [smem:$0x3FFD];
	_ =	sdelay $0x3  }
0x9c: {  	_ =	strace s4  }
0x9d: {  	_ =	strace $0x8FFFFFFF  }
0x9e: {  	s19 =	sld [smem:$0x3FDB];
	_ =	sdelay $0x1  }
0x9f: {  	s5 =	simm.s32 $_scs_section_size  }
0xa0: {  	s6 =	simm.s32 $_size__tile_overlayer_lowered;
	s7 =	simm.s32 $_tile_overlayer_lowered  }
0xa1: {  	s22 =	simm.s32 $0x1BFF;
	s21 =	sshll.u32 s7, $0x1;
	s4 =	sadd.s32 s5, s19  }
0xa2: {  	s8 =	simm.s32 $0x0;
	s20 =	sshll.u32 s6, $0x1;
	s6 =	sadd.s32 s21, s4  }
0xa3: {  	[timem:s8], [sflag:s22] =	dma.local [hbm:s6], s20  }
0xa4: {  	_ =	swait.ge [sflag:s22], s20  }
0xa5: {  	s5 =	ssub.s32 $0x0, s20;
	[sflag:s22] =	ssyncset.done $0x0  }
0xa6: {  	[sflag:s22] =	ssyncadd.s32 s5;
	_ =	sdelay $0x1  }
0xa7: {  	s23 =	simm.s32 $0x1B8B  }
0xa8: {  	_ =	swait.ge [sflag:s23], $0x1  }
0xa9: {  	[sflag:s23] =	ssyncset.done $0x0  }
0xaa: {  	s25 =	simm.s32 $0x1B8E;
	s24 =	sld [smem:$0x3FFE];
	[sflag:s23] =	ssyncadd.s32 $0xFFFFFFFF  }
0xab: {  	s26 =	simm.s32 $execute0_lowered;
	[smem:$0x3FD2] =	sst s25  }
0xac: {  	s6 =	sshll.u32 s26, $0x1;
	_ =	strace $0x80000046;
	[dreg:$0x1] =	wrdreg $0xFFFFFFFF  }
0xad: {  	s28 =	simm.s32 $_size_execute0_lowered;
	s4 =	sadd.s32 s4, s6;
	[dreg:$0x0] =	wrdreg $0x0  }
0xae: {  	s6 =	sshll.u32 s28, $0x1;
	[dreg:$0x2] =	wrdreg s4  }
0xaf: {  	[dreg:$0x3] =	wrdreg s6  }
0xb0: {  	[dreg:$0x4] =	wrdreg $0xC0  }
0xb1: {  	_ =	task [dreg:s8], $0x5FFFF  }
0xb2: {  	[dreg:$0x1] =	wrdreg $0xFFFFFFFF  }
0xb3: {  	[dreg:$0x0] =	wrdreg $0x60  }
0xb4: {  	[dreg:$0x2] =	wrdreg s16  }
0xb5: {  	[dreg:$0x3] =	wrdreg s24  }
0xb6: {  	[dreg:$0x4] =	wrdreg s17  }
0xb7: {  	[dreg:$0x5] =	wrdreg $0x0  }
0xb8: {  	[dreg:$0x6] =	wrdreg $0x9  }
0xb9: {  	_ =	task.clear_ibuf [dreg:s8], $0x7FFFF;
	_ =	strace $0x90000046  }
0xba: {  	s29 =	simm.s32 $0x9;
	_ =	strace $0x80000048  }
0xbb: {  	_ =	swait.ge [sflag:s29], $0x1  }
0xbc: {  	[sflag:s29] =	ssyncadd.s32 $0xFFFFFFFF  }
0xbd: {  	_ =	strace $0x90000048  }
0xbe: {  	_ =	sfence  }
0xbf: {  	s30 =	sld [smem:$0x0];
	_ =	sdelay $0x2  }
0xc0: {  	s31 =	sshll.u32 s1, $0xD;
	s1 =	sshrl.u32 s1, $0x2  }
0xc1: {  	s3 =	sand.u32 $0x4000, s31;
	s1 =	sadd.s32 s1, s30  }
0xc2: {  	s0 =	sor.u32 s3, s0;
	s1 =	sshll.u32 s1, $0x11  }
0xc3: {  	s0 =	sor.u32 s1, s0  }
0xc4: {  	s0 =	sadd.s32 $0x8F2B, s0  }
0xc5: {  	[sflag:s0] =	ssyncadd.remote.s32 $0x1  }
0xc6: {  	_ =	sfence.sel $0xFFFF  }
0xc7: {  	[dreg:$0x0] =	wrdreg $0xFFFFFFFF;
	(pc) =	sbr.abs _section_cstart, $3  }
0xc8: {  	[dreg:$0x1] =	wrdreg $0xFFFFFFFF  }
0xc9: {  	_ =	task.clear_ibuf [dreg:s8], $0x2FFFF;
	_ =	strace $0x9FFFFFFF  }
0xca: {  	(tm) =	ssettm $0x7FFFFFFF  }
0xcb: {  	_ =	shalt  }
tec
execute0_lowered:
.L_overlay_start_1:
0x0: {  	(tag) =	ssettag $0x1  }
0x1: {  	s7 =	rddreg [dreg:$0x0]  }
0x2: {  	s5 =	rddreg [dreg:$0x1]  }
0x3: {  	s8 =	rddreg [dreg:$0x2]  }
0x4: {  	s1 =	rddreg [dreg:$0x3]  }
0x5: {  	s0 =	rddreg [dreg:$0x4]  }
0x6: {  	s3 =	simm.s32 $0x0;
	s4 =	srdreg.scid;
	s2 =	stileid.u32  }
0x7: {  	s14 =	simm.s32 $0x80;
	s15 =	simm.s32 $0x0;
	[smem:$0x7FF] =	sst s3  }
0x8: {  	s6 =	sand.u32 $0x1, s4;
	s4 =	sadd.s32 $0x2800, s5;
	s10 =	smul.u32 $0x280, s2  }
0x9: {  	s12 =	sshll.u32 s2, $0x1;
	s5 =	sadd.s32 $0x2600, s5;
	s30 =	sshll.u32 s2, $0x6  }
0xa: {  	s9 =	ssub.s32 $0x2, s6;
	s13 =	smul.u32 $0x2800, s6;
	s6 =	sor.u32 s6, s12  }
0xb: {  	_ =	strace $0x80000047;
	s11 =	sshrl.u32 s9, $0x1;
	s12 =	smul.u32 $0x500, s6  }
0xc: {  	s6 =	sor.u32 $0x1C01, s30;
	s9 =	ssub.s32 s9, s11;
	s13 =	sadd.s32 s10, s13  }
0xd: {  	s10 =	sadd.s32 s10, s1;
	s11 =	simm.s32 $0x1;
	s31 =	sshrl.u32 s13, $0x3  }
0xe: {  	s7 =	sadd.s32 s7, s12;
	s9 =	smax.u32 s9, $0x1;
	s10 =	sshrl.u32 s10, $0x3  }
0xf: {  	s12 =	simm.s32 $0x2A80;
	s13 =	simm.s32 $0x280;
	s8 =	sadd.s32 s8, s31  }
.LBB2_1:
0x10: {  	[spmem:s10], [sflag:s6] =	dma.local [hbm:s5], $0x50  }
0x11: {  	_ =	swait.ge [sflag:s11], $0x50  }
0x12: {  	[sflag:s11] =	ssyncset.done $0x0  }
0x13: {  	[sflag:s11] =	ssyncadd.s32 $0xFFFFFFB0  }
0x14: {  	[tilespmem:s12], [sflag:$0x1] =	stream.linear.gather [hbm4b:s4+s3], $0x80, $0x38;
	[tilespmem:$0x2B00] =	vst v63  }
0x15: {  	_ =	swait.ge [sflag:s11], $0x80  }
0x16: {  	[sflag:s11] =	ssyncset.done $0x0  }
0x17: {  	[sflag:s11] =	ssyncadd.s32 $0xFFFFFF80  }
0x18: {  	[tilespmem:s13], [sflag:$0x1] =	stream.linear.gather [hbm4b:s7+s3], $0x2780, $0x38;
	[tilespmem:$0x2B00] =	vst v63  }
0x19: {  	_ =	swait.ge [sflag:s11], $0x2780  }
0x1a: {  	[sflag:s11] =	ssyncset.done $0x0  }
0x1b: {  	[sflag:s11] =	ssyncadd.s32 $0xFFFFD880  }
0x1c: {  	s16 =	simm.s32 $0x280;
	[bflag:$0x0] =	sbarrier.arrive $0xFFFF  }
0x1d: {  	[spmem:s1] =	stream.indirect.scatter.add.f32 [tilespmem:s12], [sflag:$0x1], $0x1, s16, s14, $0xb8;
	[tilespmem:$0x2B00] =	vst v63  }
0x1e: {  	s16 =	simm.s32 $0x200;
	_ =	swait.ge [sflag:s11], $0x80  }
.LBB2_2:
0x1f: {  	s17 =	sshra.s32 s16, $0x2;
	[sflag:s11] =	ssyncset.done $0x0;
	p0 =	sne.s32 s16, $0x9C00  }
.Ltmp0:
0x20: {  	s17 =	sadd.s32 $0x280, s17;
	[sflag:s11] =	ssyncadd.s32 $0xFFFFFF80;
	(pc) =	sbr.rel @p0 .LBB2_2-.Ltmp0, $3  }
0x21: {  	[spmem:s1] =	stream.indirect.scatter.add.f32 [tilespmem:s12], [sflag:$0x1], $0x1, s17, s14, $0xb8;
	[tilespmem:$0x2B00] =	vst v63  }
0x22: {  	s16 =	sadd.s32 $0x200, s16;
	_ =	sdelay $0x1  }
0x23: {  	_ =	swait.ge [sflag:s11], $0x80  }
0x24: {  	[sflag:s11] =	ssyncset.done $0x0;
	s15 =	sadd.s32 $0x1, s15  }
0x25: {  	[sflag:s11] =	ssyncadd.s32 $0xFFFFFF80;
	p0 =	sne.s32 s15, s9  }
.Ltmp1:
0x26: {  	[bflag:$0x0] =	sbarrier.arrive $0xFFFF;
	(pc) =	sbr.rel @p0 .LBB2_1-.Ltmp1, $4  }
0x27: {  	[hbm:s8], [sflag:s6] =	dma.local [spmem:s10], $0x50  }
0x28: {  	_ =	swait.ge [sflag:s11], $0x50  }
0x29: {  	[sflag:s11] =	ssyncset.done $0x0  }
0x2a: {  	[sflag:s11] =	ssyncadd.s32 $0xFFFFFFB0  }
0x2b: {  	_ =	sfence.sel $0x180000  }
0x2c: {  	[bflag:$0x0] =	sbarrier.arrive $0xFFFF  }
0x2d: {  	p0 =	sne.s32 s2, $0x0;
	_ =	strace $0x90000047  }
0x2e: {  	s0 =	sadd.s32 @!p0 $0x100000, s0;
	[bflag:$0x2] =	sbarrier.arrive $0xFFFF  }
0x2f: {  	[sflag:s0] =	ssyncadd.tile.s32 @!p0 $0x1;
	_ =	shalt  }
.Lfunc_end2:
_tile_overlayer_lowered:
.L_overlay_start_2:
0x30: {  	(tag) =	ssettag $0x2  }
0x31: {  	s0 =	rddreg [dreg:$0x0];
	s2 =	stileid.u32  }
0x32: {  	s1 =	rddreg [dreg:$0x1];
	p0 =	sne.s32 s2, $0x0  }
0x33: {  	s3 =	rddreg [dreg:$0x2];
	[bflag:$0x3] =	sbarrier.arrive $0xFFFF;
	s2 =	simm.s32 @!p0 $0x1C01  }
0x34: {  	[timem:s3], [sflag:s2] =	dma.local @!p0 [hbm:s0], s1  }
0x35: {  	s0 =	simm.s32 @!p0 $0x1  }
0x36: {  	_ =	swait.ge @!p0 [sflag:s0], s1  }
0x37: {  	s1 =	ssub.s32 @!p0 $0x0, s1;
	[sflag:s0] =	ssyncset.done @!p0 $0x0  }
0x38: {  	[sflag:s0] =	ssyncadd.s32 @!p0 s1  }
0x39: {  	[bflag:$0x3] =	sbarrier.arrive $0xFFFF  }
0x3a: {  	_ =	shalt  }

</sc_bundles>
